<compile_context>
chip_gen: v7x
topology: tpu7x:2x2x1
jax: 0.10.2.dev20260603
libtpu: 0.0.44.dev20260713+nightly
codegen_flags: <defaults>
</compile_context>

<pallas_src>
import functools

import jax
import jax.numpy as jnp
import numpy as np
from jax import lax
from jax.experimental import pallas as pl
from jax.experimental.pallas import tpu as pltpu
from jax.experimental.pallas import tpu_sc as plsc

B, N, C = 8, 2048, 256
H, DH = 4, 64
S = 16
KNB = 32
KPAD = 48
R2 = 0.3 * 0.3


def _dotb(a, b):
    return jnp.dot(a.astype(jnp.bfloat16), b.astype(jnp.bfloat16),
                   preferred_element_type=jnp.float32)


def _attn_body(x_ref, wqkv_ref, bqkv_ref, wo_ref, bo_ref, out_ref):
    x = x_ref[0]
    qkv = _dotb(x, wqkv_ref[...]) + bqkv_ref[...]
    scale = 1.0 / np.sqrt(DH)
    o_cols = []
    for h in range(H):
        q = qkv[:, h * DH:(h + 1) * DH]
        k = qkv[:, C + h * DH:C + (h + 1) * DH]
        v = qkv[:, 2 * C + h * DH:2 * C + (h + 1) * DH]
        logits = lax.dot_general(q.astype(jnp.bfloat16), k.astype(jnp.bfloat16),
                                 (((1,), (1,)), ((), ())),
                                 preferred_element_type=jnp.float32) * scale
        e = jnp.exp(logits)
        s = jnp.sum(e, axis=-1, keepdims=True)
        o_cols.append(_dotb(e, v) / s)
    o = jnp.concatenate(o_cols, axis=-1)
    out_ref[0] = x + _dotb(o, wo_ref[...]) + bo_ref[...]


def _attn_layer(x, wqkv, bqkv, wo, bo):
    return pl.pallas_call(
        _attn_body,
        grid=(B,),
        in_specs=[
            pl.BlockSpec((1, N, C), lambda b: (b, 0, 0)),
            pl.BlockSpec((C, 3 * C), lambda b: (0, 0)),
            pl.BlockSpec((1, 3 * C), lambda b: (0, 0)),
            pl.BlockSpec((C, C), lambda b: (0, 0)),
            pl.BlockSpec((1, C), lambda b: (0, 0)),
        ],
        out_specs=pl.BlockSpec((1, N, C), lambda b: (b, 0, 0)),
        out_shape=jax.ShapeDtypeStruct((B, N, C), jnp.float32),
    )(x, wqkv, bqkv, wo, bo)


def _bn_relu(h, g, be):
    m = jnp.mean(h, axis=0, keepdims=True)
    v = jnp.mean((h - m) ** 2, axis=0, keepdims=True)
    h = (h - m) / jnp.sqrt(v + 1e-5) * g + be
    return jnp.maximum(h, 0.0)


def _fg_body(x_ref, w0, b0, g0, e0, w1, b1, g1, e1, w2, b2, g2, e2, out_ref):
    h = _dotb(x_ref[...], w0[...]) + b0[...]
    h = _bn_relu(h, g0[...], e0[...])
    h = _dotb(h, w1[...]) + b1[...]
    h = _bn_relu(h, g1[...], e1[...])
    h = _dotb(h, w2[...]) + b2[...]
    h = _bn_relu(h, g2[...], e2[...])
    hr = h.reshape(B, N, S)
    mx = jnp.max(hr, axis=1, keepdims=True)
    ii = lax.broadcasted_iota(jnp.int32, (B, N, S), 1)
    out_ref[...] = jnp.min(jnp.where(hr == mx, ii, N), axis=1)


def _fg_argmax(xf, p):
    args = []
    for j, (ci, co) in enumerate(((C, 64), (64, 32), (32, S))):
        args += [p["fg_W%d" % j].T,
                 p["fg_b%d" % j].reshape(1, co),
                 p["fg_g%d" % j].reshape(1, co),
                 p["fg_be%d" % j].reshape(1, co)]
    return pl.pallas_call(
        _fg_body,
        out_shape=jax.ShapeDtypeStruct((B, S), jnp.int32),
    )(xf, *args)


def _ballquery_body(inp_hbm, idx_hbm, out_hbm, xv, yv, zv, idxrow, idxbuf,
                    outbuf):
    info = plsc.get_sparse_core_info()
    nc = info.num_cores
    wid = lax.axis_index("s") * nc + lax.axis_index("c")
    b = wid // 4
    soff = (wid % 4) * 4
    pltpu.sync_copy(inp_hbm.at[pl.ds((b * 3 + 0) * N, N)], xv)
    pltpu.sync_copy(inp_hbm.at[pl.ds((b * 3 + 1) * N, N)], yv)
    pltpu.sync_copy(inp_hbm.at[pl.ds((b * 3 + 2) * N, N)], zv)
    pltpu.sync_copy(idx_hbm.at[pl.ds(b * S, S)], idxrow.at[pl.ds(0, S)])
    lane = lax.iota(jnp.int32, 16)
    zero16 = jnp.zeros((16,), jnp.int32)
    for t in range(4):
        s_loc = soff + t
        qiv = plsc.load_gather(idxrow, [jnp.full((16,), s_loc, jnp.int32)])
        qx = plsc.load_gather(xv, [qiv])
        qy = plsc.load_gather(yv, [qiv])
        qz = plsc.load_gather(zv, [qiv])

        def body(ci, cnt):
            px = xv[pl.ds(ci * 16, 16)]
            py = yv[pl.ds(ci * 16, 16)]
            pz = zv[pl.ds(ci * 16, 16)]
            dx, dy, dz = px - qx, py - qy, pz - qz
            d2 = dx * dx + dy * dy + dz * dz
            msk = d2 <= R2
            vals = lane + ci * 16
            plsc.store_compressed(idxbuf.at[pl.ds(cnt, 16)], vals, mask=msk)
            return cnt + jnp.max(plsc.all_reduce_population_count(msk))

        cnt = lax.fori_loop(0, N // 16, body, jnp.int32(0))
        firstv = plsc.load_gather(idxbuf, [zero16])
        cntv = jnp.full((16,), cnt, jnp.int32)
        sel0 = jnp.where(lane < cntv, idxbuf[pl.ds(0, 16)], firstv)
        sel1 = jnp.where(lane + 16 < cntv, idxbuf[pl.ds(16, 16)], firstv)
        outbuf[pl.ds(0, 16)] = plsc.load_gather(xv, [sel0])
        outbuf[pl.ds(16, 16)] = plsc.load_gather(xv, [sel1])
        outbuf[pl.ds(32, 16)] = qx
        outbuf[pl.ds(48, 16)] = plsc.load_gather(yv, [sel0])
        outbuf[pl.ds(64, 16)] = plsc.load_gather(yv, [sel1])
        outbuf[pl.ds(80, 16)] = qy
        outbuf[pl.ds(96, 16)] = plsc.load_gather(zv, [sel0])
        outbuf[pl.ds(112, 16)] = plsc.load_gather(zv, [sel1])
        outbuf[pl.ds(128, 16)] = qz
        pltpu.sync_copy(outbuf,
                        out_hbm.at[pl.ds((b * S + s_loc) * (3 * KPAD), 3 * KPAD)])


def _ballquery(inp, idx):
    mesh = plsc.VectorSubcoreMesh(core_axis_name="c", subcore_axis_name="s")
    fn = functools.partial(
        pl.kernel,
        mesh=mesh,
        compiler_params=pltpu.CompilerParams(needs_layout_passes=False),
        out_type=jax.ShapeDtypeStruct((B * S * 3 * KPAD,), jnp.float32),
        scratch_types=[
            pltpu.VMEM((N,), jnp.float32),
            pltpu.VMEM((N,), jnp.float32),
            pltpu.VMEM((N,), jnp.float32),
            pltpu.VMEM((128,), jnp.int32),
            pltpu.VMEM((N + 16,), jnp.int32),
            pltpu.VMEM((3 * KPAD,), jnp.float32),
        ],
    )(_ballquery_body)
    return fn(inp.reshape(B * 3 * N), idx.reshape(B * S)).reshape(B, S, 3 * KPAD)


def _bn_leaky(h, g, be, maskf, nvalid):
    m = jnp.sum(h * maskf, axis=0, keepdims=True) / nvalid
    v = jnp.sum(((h - m) ** 2) * maskf, axis=0, keepdims=True) / nvalid
    h = (h - m) / jnp.sqrt(v + 1e-5) * g + be
    return jnp.where(h >= 0.0, h, 0.2 * h)


def _conv_body(g_ref, w0, g0, e0, w1, g1, e1, w2, g2, e2, out_ref):
    P = B * S * KPAD
    ii = lax.broadcasted_iota(jnp.int32, (P, 1), 0)
    maskf = ((ii % KPAD) < (KNB + 1)).astype(jnp.float32)
    kmask3 = lax.broadcasted_iota(jnp.int32, (B * S, KPAD, 512), 1) < (KNB + 1)
    nvalid = float(B * S * (KNB + 1))
    h = _dotb(g_ref[...], w0[...])
    h = _bn_leaky(h, g0[...], e0[...], maskf, nvalid)
    h = _bn_leaky(_dotb(h, w1[...]), g1[...], e1[...], maskf, nvalid)
    h = _bn_leaky(_dotb(h, w2[...]), g2[...], e2[...], maskf, nvalid)
    hk = h.reshape(B * S, KPAD, 512)
    hk = jnp.where(kmask3, hk, -jnp.inf)
    out_ref[...] = jnp.max(hk, axis=1)


def _convs(g, p):
    args = [g]
    for j, co in enumerate((64, 256, 512)):
        args += [p["c%d_W" % j].T,
                 p["c%d_g" % j].reshape(1, co),
                 p["c%d_be" % j].reshape(1, co)]
    return pl.pallas_call(
        _conv_body,
        out_shape=jax.ShapeDtypeStruct((B * S, 512), jnp.float32),
    )(*args)


def kernel(hoch_features, inp, params):
    p = params
    x = jnp.transpose(hoch_features, (0, 2, 1))
    for l in range(2):
        wqkv = jnp.concatenate(
            [p["sa%d_Wq" % l], p["sa%d_Wk" % l], p["sa%d_Wv" % l]], axis=1)
        bqkv = jnp.concatenate(
            [p["sa%d_bq" % l], p["sa%d_bk" % l], p["sa%d_bv" % l]]).reshape(1, 3 * C)
        x = _attn_layer(x, wqkv, bqkv, p["sa%d_Wo" % l],
                        p["sa%d_bo" % l].reshape(1, C))
    idx = _fg_argmax(x.reshape(B * N, C), p)
    grouped = _ballquery(inp, idx)
    g = grouped.reshape(B * S, 3, KPAD).transpose(0, 2, 1).reshape(B * S * KPAD, 3)
    out = _convs(g, params)
    return jnp.transpose(out.reshape(B, S, 512), (0, 2, 1))

# --- scband reference (transcript-rebuilt; emitter-appended) ---
"""Pipeline reference for scband-superpoint-sample-910533067698 (READ-ONLY COPY).

The authoritative reference and input builder live on the scoring server;
editing this copy changes nothing except your own understanding.
"""

import jax, jax.numpy as jnp
import numpy as np

B, N, C_FEAT = 8, 2048, 256
NUM_HEADS, NUM_LAYERS = 4, 2
TOP_K, MAX_RAD, RADIUS = 32, 32, 0.3
FG_CH = [C_FEAT, 64, 32, 16]
C2_CH = [3, 64, 256, 512]


def _glorot(key, shape):
    return jax.random.normal(key, shape, dtype=jnp.float32) * (1.0 / np.sqrt(shape[-1]))


def setup_inputs(seed: int = 0):
    key = jax.random.key(seed)
    ks = jax.random.split(key, 64)
    hoch_features = jax.random.normal(ks[0], (B, C_FEAT, N), dtype=jnp.float32)
    inp = jax.random.uniform(ks[1], (B, 3, N), dtype=jnp.float32)
    p = {}
    i = 2
    for l in range(NUM_LAYERS):
        for nm, bn in [("Wq", "bq"), ("Wk", "bk"), ("Wv", "bv"), ("Wo", "bo")]:
            p["sa%d_%s" % (l, nm)] = _glorot(ks[i], (C_FEAT, C_FEAT)); i += 1
            p["sa%d_%s" % (l, bn)] = jnp.zeros((C_FEAT,), jnp.float32)
    for j in range(3):
        p["fg_W%d" % j] = _glorot(ks[i], (FG_CH[j + 1], FG_CH[j])); i += 1
        p["fg_b%d" % j] = jnp.zeros((FG_CH[j + 1],), jnp.float32)
        p["fg_g%d" % j] = jnp.ones((FG_CH[j + 1],), jnp.float32)
        p["fg_be%d" % j] = jnp.zeros((FG_CH[j + 1],), jnp.float32)
    for j in range(3):
        p["c%d_W" % j] = _glorot(ks[i], (C2_CH[j + 1], C2_CH[j])); i += 1
        p["c%d_g" % j] = jnp.ones((C2_CH[j + 1],), jnp.float32)
        p["c%d_be" % j] = jnp.zeros((C2_CH[j + 1],), jnp.float32)
    return {"hoch_features": hoch_features, "inp": inp, "params": p}


def _bn(x, g, b, axes):
    m = jnp.mean(x, axis=axes, keepdims=True)
    v = jnp.var(x, axis=axes, keepdims=True)
    shp = [1] * x.ndim
    shp[1] = x.shape[1]
    return (x - m) / jnp.sqrt(v + 1e-5) * g.reshape(shp) + b.reshape(shp)


def _index_points(points, idx):
    b = points.shape[0]
    bidx = jnp.arange(b).reshape((b,) + (1,) * (idx.ndim - 1))
    return points[bidx, idx]


def _query_ball(radius, nsample, xyz, new_xyz):
    b, s, _ = new_xyz.shape
    n = xyz.shape[1]
    sqrdists = jnp.sum((new_xyz[:, :, None, :] - xyz[:, None, :, :]) ** 2, axis=-1)
    group_idx = jnp.broadcast_to(jnp.arange(n), (b, s, n))
    group_idx = jnp.where(sqrdists > radius ** 2, n, group_idx)
    group_idx = jnp.sort(group_idx, axis=-1)[:, :, :nsample]
    first = group_idx[:, :, 0:1]
    group_idx = jnp.where(group_idx == n, jnp.broadcast_to(first, group_idx.shape), group_idx)
    return group_idx


def _sa_layer(x, Wq, bq, Wk, bk, Wv, bv, Wo, bo, h):
    b, n, c = x.shape
    dh = c // h
    def split(t):
        return t.reshape(b, n, h, dh).transpose(0, 2, 1, 3)
    q = split(x @ Wq + bq)
    k = split(x @ Wk + bk)
    v = split(x @ Wv + bv)
    a = jax.nn.softmax(jnp.matmul(q, k.transpose(0, 1, 3, 2)) / np.sqrt(dh), axis=-1)
    o = jnp.matmul(a, v).transpose(0, 2, 1, 3).reshape(b, n, c)
    return x + o @ Wo + bo


def _forward(hoch_features, inp, p):
    x = hoch_features.transpose(0, 2, 1)
    for l in range(NUM_LAYERS):
        x = _sa_layer(x, p["sa%d_Wq" % l], p["sa%d_bq" % l], p["sa%d_Wk" % l], p["sa%d_bk" % l], p["sa%d_Wv" % l], p["sa%d_bv" % l], p["sa%d_Wo" % l], p["sa%d_bo" % l], NUM_HEADS)
    high = x.transpose(0, 2, 1)
    for j in range(3):
        high = jnp.einsum('bcn,oc->bon', high, p["fg_W%d" % j]) + p["fg_b%d" % j][None, :, None]
        high = jax.nn.relu(_bn(high, p["fg_g%d" % j], p["fg_be%d" % j], (0, 2)))
    _, idx = jax.lax.top_k(high, TOP_K)
    indices = idx[:, :, 0]
    all_points = inp.transpose(0, 2, 1)
    query_points = _index_points(all_points, indices)
    rad_idx = _query_ball(RADIUS, MAX_RAD, all_points[:, :, :3], query_points[:, :, :3])
    rad_pts = _index_points(all_points, rad_idx)
    grouped = jnp.concatenate([query_points[:, :, None, :], rad_pts], axis=2)
    x2 = grouped.transpose(0, 3, 1, 2)
    for j in range(3):
        x2 = jnp.einsum('bcsk,oc->bosk', x2, p["c%d_W" % j])
        x2 = jax.nn.leaky_relu(_bn(x2, p["c%d_g" % j], p["c%d_be" % j], (0, 2, 3)), 0.2)
    return jnp.max(x2, axis=-1)


def reference(hoch_features, inp, params):
    return _forward(hoch_features, inp, params)

if __name__ == "__main__":
    import jax
    _d = setup_inputs()
    print(jax.jit(kernel)(*tuple(_d.values())))

</pallas_src>

<mosaic_0001>
#map = affine_map<(d0, d1) -> (0)>
module attributes {stable_mosaic.version = 14 : i64} {
  func.func @_ballquery_body(%arg0: i32, %arg1: i32, %arg2: memref<49152xf32, #tpu.memory_space<hbm>>, %arg3: memref<128xi32, #tpu.memory_space<hbm>>, %arg4: memref<18432xf32, #tpu.memory_space<hbm>>, %arg5: memref<2048xf32, #tpu.memory_space<vmem>>, %arg6: memref<2048xf32, #tpu.memory_space<vmem>>, %arg7: memref<2048xf32, #tpu.memory_space<vmem>>, %arg8: memref<128xi32, #tpu.memory_space<vmem>>, %arg9: memref<2064xi32, #tpu.memory_space<vmem>>, %arg10: memref<144xf32, #tpu.memory_space<vmem>>) attributes {dimension_semantics = [#tpu.dimension_semantics<core_parallel>, #tpu.dimension_semantics<subcore_parallel>], iteration_bounds = array<i64: 2, 16>, scalar_prefetch = 0 : i64, scratch_operands = 6 : i64, tpu.core_type = #tpu.core_type<sc_vector_subcore>, window_params = [{transform_indices = #map}, {transform_indices = #map}, {transform_indices = #map}]} {
    %mul3A = arith.constant 2 : i32
    %mul3A_0 = arith.muli %arg1, %mul3A : i32
    %add3A = arith.addi %mul3A_0, %arg0 : i32
    %jit3A = arith.constant 4 : i32
    %div3A = arith.divsi %add3A, %jit3A : i32
    %sign3A = arith.constant 0 : i32
    %sign3A_1 = arith.cmpi sgt, %add3A, %sign3A : i32
    %sign3A_2 = arith.extui %sign3A_1 : i1 to i32
    %sign3A_3 = arith.constant 0 : i32
    %sign3A_4 = arith.cmpi slt, %add3A, %sign3A_3 : i32
    %sign3A_5 = arith.extui %sign3A_4 : i1 to i32
    %sign3A_6 = arith.subi %sign3A_2, %sign3A_5 : i32
    %sign3A_7 = arith.constant 0 : i32
    %sign3A_8 = arith.cmpi sgt, %jit3A, %sign3A_7 : i32
    %sign3A_9 = arith.extui %sign3A_8 : i1 to i32
    %sign3A_10 = arith.constant 0 : i32
    %sign3A_11 = arith.cmpi slt, %jit3A, %sign3A_10 : i32
    %sign3A_12 = arith.extui %sign3A_11 : i1 to i32
    %sign3A_13 = arith.subi %sign3A_9, %sign3A_12 : i32
    %ne3A = arith.cmpi ne, %sign3A_6, %sign3A_13 : i32
    %rem3A = arith.remsi %add3A, %jit3A : i32
    %ne3A_14 = arith.constant 0 : i32
    %ne3A_15 = arith.cmpi ne, %rem3A, %ne3A_14 : i32
    %and3A = arith.andi %ne3A, %ne3A_15 : i1
    %sub3A = arith.constant 1 : i32
    %sub3A_16 = arith.subi %div3A, %sub3A : i32
    %select_n3A = arith.select %and3A, %sub3A_16, %div3A : i32
    %jit3A_17 = arith.constant 4 : i32
    %eq3A = arith.constant 0 : i32
    %eq3A_18 = arith.cmpi eq, %jit3A_17, %eq3A : i32
    %jit3A_19 = arith.constant 1 : i32
    %select_n3A_20 = arith.select %eq3A_18, %jit3A_19, %jit3A_17 : i32
    %rem3A_21 = arith.remsi %add3A, %select_n3A_20 : i32
    %ne3A_22 = arith.constant 0 : i32
    %ne3A_23 = arith.cmpi ne, %rem3A_21, %ne3A_22 : i32
    %lt3A = arith.constant 0 : i32
    %lt3A_24 = arith.cmpi slt, %rem3A_21, %lt3A : i32
    %lt3A_25 = arith.constant 0 : i32
    %lt3A_26 = arith.cmpi slt, %select_n3A_20, %lt3A_25 : i32
    %ne3A_27 = arith.xori %lt3A_24, %lt3A_26 : i1
    %and3A_28 = arith.andi %ne3A_27, %ne3A_23 : i1
    %add3A_29 = arith.addi %rem3A_21, %select_n3A_20 : i32
    %select_n3A_30 = arith.select %and3A_28, %add3A_29, %rem3A_21 : i32
    %mul3A_31 = arith.constant 4 : i32
    %mul3A_32 = arith.muli %select_n3A_30, %mul3A_31 : i32
    %mul3A_33 = arith.constant 3 : i32
    %mul3A_34 = arith.muli %select_n3A, %mul3A_33 : i32
    %add3A_35 = arith.constant 0 : i32
    %add3A_36 = arith.addi %mul3A_34, %add3A_35 : i32
    %mul3A_37 = arith.constant 2048 : i32
    %mul3A_38 = arith.muli %add3A_36, %mul3A_37 : i32
    "tpu.region"() ({
      %run_scoped3A = tpu.sem_alloc : memref<!tpu.dma_semaphore, #tpu.memory_space<semaphore_mem>>
      %dma_start3A = tpu.memref_slice %arg2[%mul3A_38] : memref<49152xf32, #tpu.memory_space<hbm>> -> memref<2048xf32, #tpu.memory_space<hbm>>
      %dma_start3A_274 = tpu.memref_slice %arg2[%mul3A_38] : memref<49152xf32, #tpu.memory_space<hbm>> -> memref<2048xf32, #tpu.memory_space<hbm>>
      tpu.enqueue_dma source(%dma_start3A_274 : memref<2048xf32, #tpu.memory_space<hbm>>) target(%arg5 : memref<2048xf32, #tpu.memory_space<vmem>>) target_semaphore(%run_scoped3A : memref<!tpu.dma_semaphore, #tpu.memory_space<semaphore_mem>>)
      %dma_wait3A = tpu.memref_slice %arg2[%mul3A_38] : memref<49152xf32, #tpu.memory_space<hbm>> -> memref<2048xf32, #tpu.memory_space<hbm>>
      %dma_wait3A_275 = tpu.memref_slice %arg2[%mul3A_38] : memref<49152xf32, #tpu.memory_space<hbm>> -> memref<2048xf32, #tpu.memory_space<hbm>>
      tpu.wait_dma2 semaphore(%run_scoped3A : memref<!tpu.dma_semaphore, #tpu.memory_space<semaphore_mem>>) src(%dma_wait3A_275 : memref<2048xf32, #tpu.memory_space<hbm>>) dst(%arg5 : memref<2048xf32, #tpu.memory_space<vmem>>)
      tpu.yield
    }) : () -> ()
    %mul3A_39 = arith.constant 3 : i32
    %mul3A_40 = arith.muli %select_n3A, %mul3A_39 : i32
    %add3A_41 = arith.constant 1 : i32
    %add3A_42 = arith.addi %mul3A_40, %add3A_41 : i32
    %mul3A_43 = arith.constant 2048 : i32
    %mul3A_44 = arith.muli %add3A_42, %mul3A_43 : i32
    "tpu.region"() ({
      %run_scoped3A = tpu.sem_alloc : memref<!tpu.dma_semaphore, #tpu.memory_space<semaphore_mem>>
      %dma_start3A = tpu.memref_slice %arg2[%mul3A_44] : memref<49152xf32, #tpu.memory_space<hbm>> -> memref<2048xf32, #tpu.memory_space<hbm>>
      %dma_start3A_274 = tpu.memref_slice %arg2[%mul3A_44] : memref<49152xf32, #tpu.memory_space<hbm>> -> memref<2048xf32, #tpu.memory_space<hbm>>
      tpu.enqueue_dma source(%dma_start3A_274 : memref<2048xf32, #tpu.memory_space<hbm>>) target(%arg6 : memref<2048xf32, #tpu.memory_space<vmem>>) target_semaphore(%run_scoped3A : memref<!tpu.dma_semaphore, #tpu.memory_space<semaphore_mem>>)
      %dma_wait3A = tpu.memref_slice %arg2[%mul3A_44] : memref<49152xf32, #tpu.memory_space<hbm>> -> memref<2048xf32, #tpu.memory_space<hbm>>
      %dma_wait3A_275 = tpu.memref_slice %arg2[%mul3A_44] : memref<49152xf32, #tpu.memory_space<hbm>> -> memref<2048xf32, #tpu.memory_space<hbm>>
      tpu.wait_dma2 semaphore(%run_scoped3A : memref<!tpu.dma_semaphore, #tpu.memory_space<semaphore_mem>>) src(%dma_wait3A_275 : memref<2048xf32, #tpu.memory_space<hbm>>) dst(%arg6 : memref<2048xf32, #tpu.memory_space<vmem>>)
      tpu.yield
    }) : () -> ()
    %mul3A_45 = arith.constant 3 : i32
    %mul3A_46 = arith.muli %select_n3A, %mul3A_45 : i32
    %add3A_47 = arith.constant 2 : i32
    %add3A_48 = arith.addi %mul3A_46, %add3A_47 : i32
    %mul3A_49 = arith.constant 2048 : i32
    %mul3A_50 = arith.muli %add3A_48, %mul3A_49 : i32
    "tpu.region"() ({
      %run_scoped3A = tpu.sem_alloc : memref<!tpu.dma_semaphore, #tpu.memory_space<semaphore_mem>>
      %dma_start3A = tpu.memref_slice %arg2[%mul3A_50] : memref<49152xf32, #tpu.memory_space<hbm>> -> memref<2048xf32, #tpu.memory_space<hbm>>
      %dma_start3A_274 = tpu.memref_slice %arg2[%mul3A_50] : memref<49152xf32, #tpu.memory_space<hbm>> -> memref<2048xf32, #tpu.memory_space<hbm>>
      tpu.enqueue_dma source(%dma_start3A_274 : memref<2048xf32, #tpu.memory_space<hbm>>) target(%arg7 : memref<2048xf32, #tpu.memory_space<vmem>>) target_semaphore(%run_scoped3A : memref<!tpu.dma_semaphore, #tpu.memory_space<semaphore_mem>>)
      %dma_wait3A = tpu.memref_slice %arg2[%mul3A_50] : memref<49152xf32, #tpu.memory_space<hbm>> -> memref<2048xf32, #tpu.memory_space<hbm>>
      %dma_wait3A_275 = tpu.memref_slice %arg2[%mul3A_50] : memref<49152xf32, #tpu.memory_space<hbm>> -> memref<2048xf32, #tpu.memory_space<hbm>>
      tpu.wait_dma2 semaphore(%run_scoped3A : memref<!tpu.dma_semaphore, #tpu.memory_space<semaphore_mem>>) src(%dma_wait3A_275 : memref<2048xf32, #tpu.memory_space<hbm>>) dst(%arg7 : memref<2048xf32, #tpu.memory_space<vmem>>)
      tpu.yield
    }) : () -> ()
    %mul3A_51 = arith.constant 16 : i32
    %mul3A_52 = arith.muli %select_n3A, %mul3A_51 : i32
    "tpu.region"() ({
      %run_scoped3A = tpu.sem_alloc : memref<!tpu.dma_semaphore, #tpu.memory_space<semaphore_mem>>
      %dma_start3A = arith.constant 0 : i32
      %dma_start3A_274 = tpu.memref_slice %arg8[%dma_start3A] : memref<128xi32, #tpu.memory_space<vmem>> -> memref<16xi32, #tpu.memory_space<vmem>>
      %dma_start3A_275 = tpu.memref_slice %arg3[%mul3A_52] : memref<128xi32, #tpu.memory_space<hbm>> -> memref<16xi32, #tpu.memory_space<hbm>>
      %dma_start3A_276 = arith.constant 0 : i32
      %dma_start3A_277 = tpu.memref_slice %arg8[%dma_start3A_276] : memref<128xi32, #tpu.memory_space<vmem>> -> memref<16xi32, #tpu.memory_space<vmem>>
      %dma_start3A_278 = tpu.memref_slice %arg3[%mul3A_52] : memref<128xi32, #tpu.memory_space<hbm>> -> memref<16xi32, #tpu.memory_space<hbm>>
      tpu.enqueue_dma source(%dma_start3A_278 : memref<16xi32, #tpu.memory_space<hbm>>) target(%dma_start3A_277 : memref<16xi32, #tpu.memory_space<vmem>>) target_semaphore(%run_scoped3A : memref<!tpu.dma_semaphore, #tpu.memory_space<semaphore_mem>>)
      %dma_wait3A = arith.constant 0 : i32
      %dma_wait3A_279 = tpu.memref_slice %arg8[%dma_wait3A] : memref<128xi32, #tpu.memory_space<vmem>> -> memref<16xi32, #tpu.memory_space<vmem>>
      %dma_wait3A_280 = tpu.memref_slice %arg3[%mul3A_52] : memref<128xi32, #tpu.memory_space<hbm>> -> memref<16xi32, #tpu.memory_space<hbm>>
      %dma_wait3A_281 = arith.constant 0 : i32
      %dma_wait3A_282 = tpu.memref_slice %arg8[%dma_wait3A_281] : memref<128xi32, #tpu.memory_space<vmem>> -> memref<16xi32, #tpu.memory_space<vmem>>
      %dma_wait3A_283 = tpu.memref_slice %arg3[%mul3A_52] : memref<128xi32, #tpu.memory_space<hbm>> -> memref<16xi32, #tpu.memory_space<hbm>>
      tpu.wait_dma2 semaphore(%run_scoped3A : memref<!tpu.dma_semaphore, #tpu.memory_space<semaphore_mem>>) src(%dma_wait3A_283 : memref<16xi32, #tpu.memory_space<hbm>>) dst(%dma_wait3A_282 : memref<16xi32, #tpu.memory_space<vmem>>)
      tpu.yield
    }) : () -> ()
    %iota3A = tpu.iota {dimensions = array<i32: 0>} : vector<16xi32>
    %broadcast_in_dim3A = arith.constant 0 : i32
    %broadcast_in_dim3A_53 = vector.broadcast %broadcast_in_dim3A : i32 to vector<16xi32>
    %add3A_54 = arith.constant 0 : i32
    %add3A_55 = arith.addi %mul3A_32, %add3A_54 : i32
    %broadcast_in_dim3A_56 = vector.broadcast %add3A_55 : i32 to vector<16xi32>
    %gather3A = tpu.vector_load_idx %arg8[%broadcast_in_dim3A_56] : memref<128xi32, #tpu.memory_space<vmem>>[vector<16xi32>], vector<16xi32>,
    %gather3A_57 = tpu.vector_load_idx %arg5[%gather3A] : memref<2048xf32, #tpu.memory_space<vmem>>[vector<16xi32>], vector<16xf32>,
    %gather3A_58 = tpu.vector_load_idx %arg6[%gather3A] : memref<2048xf32, #tpu.memory_space<vmem>>[vector<16xi32>], vector<16xf32>,
    %gather3A_59 = tpu.vector_load_idx %arg7[%gather3A] : memref<2048xf32, #tpu.memory_space<vmem>>[vector<16xi32>], vector<16xf32>,
    %scan3A = arith.constant 0 : i32
    %scan3A_60 = arith.constant 0 : i32
    %scan3A_61 = arith.constant 128 : i32
    %scan3A_62 = arith.addi %scan3A_60, %scan3A_61 : i32
    %scan3A_63 = arith.constant 1 : i32
    %scan3A_64 = scf.for %scan3A_274 = %scan3A_60 to %scan3A_62 step %scan3A_63 iter_args(%scan3A_275 = %scan3A) -> (i32)  : i32 {
      %mul3A_276 = arith.constant 16 : i32
      %mul3A_277 = arith.muli %scan3A_274, %mul3A_276 : i32
      %get3A_278 = arith.index_cast %mul3A_277 : i32 to index
      %get3A_279 = tpu.vector_load %arg5[%get3A_278] {strides = array<i32>} : memref<2048xf32, #tpu.memory_space<vmem>>, vector<16xf32>,
      %mul3A_280 = arith.constant 16 : i32
      %mul3A_281 = arith.muli %scan3A_274, %mul3A_280 : i32
      %get3A_282 = arith.index_cast %mul3A_281 : i32 to index
      %get3A_283 = tpu.vector_load %arg6[%get3A_282] {strides = array<i32>} : memref<2048xf32, #tpu.memory_space<vmem>>, vector<16xf32>,
      %mul3A_284 = arith.constant 16 : i32
      %mul3A_285 = arith.muli %scan3A_274, %mul3A_284 : i32
      %get3A_286 = arith.index_cast %mul3A_285 : i32 to index
      %get3A_287 = tpu.vector_load %arg7[%get3A_286] {strides = array<i32>} : memref<2048xf32, #tpu.memory_space<vmem>>, vector<16xf32>,
      %sub3A_288 = arith.subf %get3A_279, %gather3A_57 : vector<16xf32>
      %sub3A_289 = arith.subf %get3A_283, %gather3A_58 : vector<16xf32>
      %sub3A_290 = arith.subf %get3A_287, %gather3A_59 : vector<16xf32>
      %mul3A_291 = arith.mulf %sub3A_288, %sub3A_288 : vector<16xf32>
      %mul3A_292 = arith.mulf %sub3A_289, %sub3A_289 : vector<16xf32>
      %add3A_293 = arith.addf %mul3A_291, %mul3A_292 : vector<16xf32>
      %mul3A_294 = arith.mulf %sub3A_290, %sub3A_290 : vector<16xf32>
      %add3A_295 = arith.addf %add3A_293, %mul3A_294 : vector<16xf32>
      %le3A = arith.constant 9.000000e-02 : f32
      %le3A_296 = vector.broadcast %le3A : f32 to vector<16xf32>
      %le3A_297 = arith.cmpf ole, %add3A_295, %le3A_296 : vector<16xf32>
      %mul3A_298 = arith.constant 16 : i32
      %mul3A_299 = arith.muli %scan3A_274, %mul3A_298 : i32
      %add3A_300 = vector.broadcast %mul3A_299 : i32 to vector<16xi32>
      %add3A_301 = arith.addi %iota3A, %add3A_300 : vector<16xi32>
      %swap3A_302 = arith.index_cast %scan3A_275 : i32 to index
      %swap3A_303 = tpu.vector_load %arg9[%swap3A_302] masked %le3A_297 {strides = array<i32>} : memref<2064xi32, #tpu.memory_space<vmem>>, vector<16xi32>, vector<16xi1>
      tpu.vector_store %arg9[%swap3A_302], %add3A_301 masked %le3A_297 {strides = array<i32>} : memref<2064xi32, #tpu.memory_space<vmem>>, vector<16xi32>, vector<16xi1>
      %all_reduce_population_count3A = tpu.all_reduce %le3A_297 {dim = 0 : i64, kind = #tpu.reduction_kind<sum>} : vector<16xi1> -> vector<16xi32>
      %reduce_max3A = arith.constant true
      %reduce_max3A_304 = vector.broadcast %reduce_max3A : i1 to vector<16xi1>
      %reduce_max3A_305 = arith.constant -2147483648 : i32
      %reduce_max3A_306 = vector.broadcast %reduce_max3A_305 : i32 to vector<16xi32>
      %reduce_max3A_307 = arith.xori %all_reduce_population_count3A, %reduce_max3A_306 : vector<16xi32>
      %reduce_max3A_308 = tpu.scan <max>, %reduce_max3A_307 masked %reduce_max3A_304 : vector<16xi32>, vector<16xi1> -> vector<16xi32>
      %reduce_max3A_309 = arith.xori %reduce_max3A_308, %reduce_max3A_306 : vector<16xi32>
      %reduce_max3A_310 = vector.extract %reduce_max3A_309[15] : i32 from vector<16xi32>
      %add3A_311 = arith.addi %scan3A_275, %reduce_max3A_310 : i32
      scf.yield %add3A_311 : i32
    }
    %scan3A_65 = arith.constant 128 : i32
    %gather3A_66 = tpu.vector_load_idx %arg9[%broadcast_in_dim3A_53] : memref<2064xi32, #tpu.memory_space<vmem>>[vector<16xi32>], vector<16xi32>,
    %broadcast_in_dim3A_67 = vector.broadcast %scan3A_64 : i32 to vector<16xi32>
    %lt3A_68 = arith.cmpi slt, %iota3A, %broadcast_in_dim3A_67 : vector<16xi32>
    %get3A = arith.constant 0 : index
    %get3A_69 = tpu.vector_load %arg9[%get3A] {strides = array<i32>} : memref<2064xi32, #tpu.memory_space<vmem>>, vector<16xi32>,
    %select_n3A_70 = arith.select %lt3A_68, %get3A_69, %gather3A_66 : vector<16xi1>, vector<16xi32>
    %add3A_71 = arith.constant 16 : i32
    %add3A_72 = vector.broadcast %add3A_71 : i32 to vector<16xi32>
    %add3A_73 = arith.addi %iota3A, %add3A_72 : vector<16xi32>
    %lt3A_74 = arith.cmpi slt, %add3A_73, %broadcast_in_dim3A_67 : vector<16xi32>
    %get3A_75 = arith.constant 16 : index
    %get3A_76 = tpu.vector_load %arg9[%get3A_75] {strides = array<i32>} : memref<2064xi32, #tpu.memory_space<vmem>>, vector<16xi32>,
    %select_n3A_77 = arith.select %lt3A_74, %get3A_76, %gather3A_66 : vector<16xi1>, vector<16xi32>
    %gather3A_78 = tpu.vector_load_idx %arg5[%select_n3A_70] : memref<2048xf32, #tpu.memory_space<vmem>>[vector<16xi32>], vector<16xf32>,
    %swap3A = arith.constant 0 : index
    %swap3A_79 = tpu.vector_load %arg10[%swap3A] {strides = array<i32>} : memref<144xf32, #tpu.memory_space<vmem>>, vector<16xf32>,
    tpu.vector_store %arg10[%swap3A], %gather3A_78 {strides = array<i32>} : memref<144xf32, #tpu.memory_space<vmem>>, vector<16xf32>,
    %gather3A_80 = tpu.vector_load_idx %arg5[%select_n3A_77] : memref<2048xf32, #tpu.memory_space<vmem>>[vector<16xi32>], vector<16xf32>,
    %swap3A_81 = arith.constant 16 : index
    %swap3A_82 = tpu.vector_load %arg10[%swap3A_81] {strides = array<i32>} : memref<144xf32, #tpu.memory_space<vmem>>, vector<16xf32>,
    tpu.vector_store %arg10[%swap3A_81], %gather3A_80 {strides = array<i32>} : memref<144xf32, #tpu.memory_space<vmem>>, vector<16xf32>,
    %swap3A_83 = arith.constant 32 : index
    %swap3A_84 = tpu.vector_load %arg10[%swap3A_83] {strides = array<i32>} : memref<144xf32, #tpu.memory_space<vmem>>, vector<16xf32>,
    tpu.vector_store %arg10[%swap3A_83], %gather3A_57 {strides = array<i32>} : memref<144xf32, #tpu.memory_space<vmem>>, vector<16xf32>,
    %gather3A_85 = tpu.vector_load_idx %arg6[%select_n3A_70] : memref<2048xf32, #tpu.memory_space<vmem>>[vector<16xi32>], vector<16xf32>,
    %swap3A_86 = arith.constant 48 : index
    %swap3A_87 = tpu.vector_load %arg10[%swap3A_86] {strides = array<i32>} : memref<144xf32, #tpu.memory_space<vmem>>, vector<16xf32>,
    tpu.vector_store %arg10[%swap3A_86], %gather3A_85 {strides = array<i32>} : memref<144xf32, #tpu.memory_space<vmem>>, vector<16xf32>,
    %gather3A_88 = tpu.vector_load_idx %arg6[%select_n3A_77] : memref<2048xf32, #tpu.memory_space<vmem>>[vector<16xi32>], vector<16xf32>,
    %swap3A_89 = arith.constant 64 : index
    %swap3A_90 = tpu.vector_load %arg10[%swap3A_89] {strides = array<i32>} : memref<144xf32, #tpu.memory_space<vmem>>, vector<16xf32>,
    tpu.vector_store %arg10[%swap3A_89], %gather3A_88 {strides = array<i32>} : memref<144xf32, #tpu.memory_space<vmem>>, vector<16xf32>,
    %swap3A_91 = arith.constant 80 : index
    %swap3A_92 = tpu.vector_load %arg10[%swap3A_91] {strides = array<i32>} : memref<144xf32, #tpu.memory_space<vmem>>, vector<16xf32>,
    tpu.vector_store %arg10[%swap3A_91], %gather3A_58 {strides = array<i32>} : memref<144xf32, #tpu.memory_space<vmem>>, vector<16xf32>,
    %gather3A_93 = tpu.vector_load_idx %arg7[%select_n3A_70] : memref<2048xf32, #tpu.memory_space<vmem>>[vector<16xi32>], vector<16xf32>,
    %swap3A_94 = arith.constant 96 : index
    %swap3A_95 = tpu.vector_load %arg10[%swap3A_94] {strides = array<i32>} : memref<144xf32, #tpu.memory_space<vmem>>, vector<16xf32>,
    tpu.vector_store %arg10[%swap3A_94], %gather3A_93 {strides = array<i32>} : memref<144xf32, #tpu.memory_space<vmem>>, vector<16xf32>,
    %gather3A_96 = tpu.vector_load_idx %arg7[%select_n3A_77] : memref<2048xf32, #tpu.memory_space<vmem>>[vector<16xi32>], vector<16xf32>,
    %swap3A_97 = arith.constant 112 : index
    %swap3A_98 = tpu.vector_load %arg10[%swap3A_97] {strides = array<i32>} : memref<144xf32, #tpu.memory_space<vmem>>, vector<16xf32>,
    tpu.vector_store %arg10[%swap3A_97], %gather3A_96 {strides = array<i32>} : memref<144xf32, #tpu.memory_space<vmem>>, vector<16xf32>,
    %swap3A_99 = arith.constant 128 : index
    %swap3A_100 = tpu.vector_load %arg10[%swap3A_99] {strides = array<i32>} : memref<144xf32, #tpu.memory_space<vmem>>, vector<16xf32>,
    tpu.vector_store %arg10[%swap3A_99], %gather3A_59 {strides = array<i32>} : memref<144xf32, #tpu.memory_space<vmem>>, vector<16xf32>,
    %mul3A_101 = arith.constant 16 : i32
    %mul3A_102 = arith.muli %select_n3A, %mul3A_101 : i32
    %add3A_103 = arith.addi %mul3A_102, %add3A_55 : i32
    %mul3A_104 = arith.constant 144 : i32
    %mul3A_105 = arith.muli %add3A_103, %mul3A_104 : i32
    "tpu.region"() ({
      %run_scoped3A = tpu.sem_alloc : memref<!tpu.dma_semaphore, #tpu.memory_space<semaphore_mem>>
      %dma_start3A = tpu.memref_slice %arg4[%mul3A_105] : memref<18432xf32, #tpu.memory_space<hbm>> -> memref<144xf32, #tpu.memory_space<hbm>>
      %dma_start3A_274 = tpu.memref_slice %arg4[%mul3A_105] : memref<18432xf32, #tpu.memory_space<hbm>> -> memref<144xf32, #tpu.memory_space<hbm>>
      tpu.enqueue_dma source(%arg10 : memref<144xf32, #tpu.memory_space<vmem>>) target(%dma_start3A_274 : memref<144xf32, #tpu.memory_space<hbm>>) target_semaphore(%run_scoped3A : memref<!tpu.dma_semaphore, #tpu.memory_space<semaphore_mem>>)
      %dma_wait3A = tpu.memref_slice %arg4[%mul3A_105] : memref<18432xf32, #tpu.memory_space<hbm>> -> memref<144xf32, #tpu.memory_space<hbm>>
      %dma_wait3A_275 = tpu.memref_slice %arg4[%mul3A_105] : memref<18432xf32, #tpu.memory_space<hbm>> -> memref<144xf32, #tpu.memory_space<hbm>>
      tpu.wait_dma2 semaphore(%run_scoped3A : memref<!tpu.dma_semaphore, #tpu.memory_space<semaphore_mem>>) src(%arg10 : memref<144xf32, #tpu.memory_space<vmem>>) dst(%dma_wait3A_275 : memref<144xf32, #tpu.memory_space<hbm>>)
      tpu.yield
    }) : () -> ()
    %add3A_106 = arith.constant 1 : i32
    %add3A_107 = arith.addi %mul3A_32, %add3A_106 : i32
    %broadcast_in_dim3A_108 = vector.broadcast %add3A_107 : i32 to vector<16xi32>
    %gather3A_109 = tpu.vector_load_idx %arg8[%broadcast_in_dim3A_108] : memref<128xi32, #tpu.memory_space<vmem>>[vector<16xi32>], vector<16xi32>,
    %gather3A_110 = tpu.vector_load_idx %arg5[%gather3A_109] : memref<2048xf32, #tpu.memory_space<vmem>>[vector<16xi32>], vector<16xf32>,
    %gather3A_111 = tpu.vector_load_idx %arg6[%gather3A_109] : memref<2048xf32, #tpu.memory_space<vmem>>[vector<16xi32>], vector<16xf32>,
    %gather3A_112 = tpu.vector_load_idx %arg7[%gather3A_109] : memref<2048xf32, #tpu.memory_space<vmem>>[vector<16xi32>], vector<16xf32>,
    %scan3A_113 = arith.constant 0 : i32
    %scan3A_114 = arith.constant 0 : i32
    %scan3A_115 = arith.constant 128 : i32
    %scan3A_116 = arith.addi %scan3A_114, %scan3A_115 : i32
    %scan3A_117 = arith.constant 1 : i32
    %scan3A_118 = scf.for %scan3A_274 = %scan3A_114 to %scan3A_116 step %scan3A_117 iter_args(%scan3A_275 = %scan3A_113) -> (i32)  : i32 {
      %mul3A_276 = arith.constant 16 : i32
      %mul3A_277 = arith.muli %scan3A_274, %mul3A_276 : i32
      %get3A_278 = arith.index_cast %mul3A_277 : i32 to index
      %get3A_279 = tpu.vector_load %arg5[%get3A_278] {strides = array<i32>} : memref<2048xf32, #tpu.memory_space<vmem>>, vector<16xf32>,
      %mul3A_280 = arith.constant 16 : i32
      %mul3A_281 = arith.muli %scan3A_274, %mul3A_280 : i32
      %get3A_282 = arith.index_cast %mul3A_281 : i32 to index
      %get3A_283 = tpu.vector_load %arg6[%get3A_282] {strides = array<i32>} : memref<2048xf32, #tpu.memory_space<vmem>>, vector<16xf32>,
      %mul3A_284 = arith.constant 16 : i32
      %mul3A_285 = arith.muli %scan3A_274, %mul3A_284 : i32
      %get3A_286 = arith.index_cast %mul3A_285 : i32 to index
      %get3A_287 = tpu.vector_load %arg7[%get3A_286] {strides = array<i32>} : memref<2048xf32, #tpu.memory_space<vmem>>, vector<16xf32>,
      %sub3A_288 = arith.subf %get3A_279, %gather3A_110 : vector<16xf32>
      %sub3A_289 = arith.subf %get3A_283, %gather3A_111 : vector<16xf32>
      %sub3A_290 = arith.subf %get3A_287, %gather3A_112 : vector<16xf32>
      %mul3A_291 = arith.mulf %sub3A_288, %sub3A_288 : vector<16xf32>
      %mul3A_292 = arith.mulf %sub3A_289, %sub3A_289 : vector<16xf32>
      %add3A_293 = arith.addf %mul3A_291, %mul3A_292 : vector<16xf32>
      %mul3A_294 = arith.mulf %sub3A_290, %sub3A_290 : vector<16xf32>
      %add3A_295 = arith.addf %add3A_293, %mul3A_294 : vector<16xf32>
      %le3A = arith.constant 9.000000e-02 : f32
      %le3A_296 = vector.broadcast %le3A : f32 to vector<16xf32>
      %le3A_297 = arith.cmpf ole, %add3A_295, %le3A_296 : vector<16xf32>
      %mul3A_298 = arith.constant 16 : i32
      %mul3A_299 = arith.muli %scan3A_274, %mul3A_298 : i32
      %add3A_300 = vector.broadcast %mul3A_299 : i32 to vector<16xi32>
      %add3A_301 = arith.addi %iota3A, %add3A_300 : vector<16xi32>
      %swap3A_302 = arith.index_cast %scan3A_275 : i32 to index
      %swap3A_303 = tpu.vector_load %arg9[%swap3A_302] masked %le3A_297 {strides = array<i32>} : memref<2064xi32, #tpu.memory_space<vmem>>, vector<16xi32>, vector<16xi1>
      tpu.vector_store %arg9[%swap3A_302], %add3A_301 masked %le3A_297 {strides = array<i32>} : memref<2064xi32, #tpu.memory_space<vmem>>, vector<16xi32>, vector<16xi1>
      %all_reduce_population_count3A = tpu.all_reduce %le3A_297 {dim = 0 : i64, kind = #tpu.reduction_kind<sum>} : vector<16xi1> -> vector<16xi32>
      %reduce_max3A = arith.constant true
      %reduce_max3A_304 = vector.broadcast %reduce_max3A : i1 to vector<16xi1>
      %reduce_max3A_305 = arith.constant -2147483648 : i32
      %reduce_max3A_306 = vector.broadcast %reduce_max3A_305 : i32 to vector<16xi32>
      %reduce_max3A_307 = arith.xori %all_reduce_population_count3A, %reduce_max3A_306 : vector<16xi32>
      %reduce_max3A_308 = tpu.scan <max>, %reduce_max3A_307 masked %reduce_max3A_304 : vector<16xi32>, vector<16xi1> -> vector<16xi32>
      %reduce_max3A_309 = arith.xori %reduce_max3A_308, %reduce_max3A_306 : vector<16xi32>
      %reduce_max3A_310 = vector.extract %reduce_max3A_309[15] : i32 from vector<16xi32>
      %add3A_311 = arith.addi %scan3A_275, %reduce_max3A_310 : i32
      scf.yield %add3A_311 : i32
    }
    %scan3A_119 = arith.constant 128 : i32
    %gather3A_120 = tpu.vector_load_idx %arg9[%broadcast_in_dim3A_53] : memref<2064xi32, #tpu.memory_space<vmem>>[vector<16xi32>], vector<16xi32>,
    %broadcast_in_dim3A_121 = vector.broadcast %scan3A_118 : i32 to vector<16xi32>
    %lt3A_122 = arith.cmpi slt, %iota3A, %broadcast_in_dim3A_121 : vector<16xi32>
    %get3A_123 = arith.constant 0 : index
    %get3A_124 = tpu.vector_load %arg9[%get3A_123] {strides = array<i32>} : memref<2064xi32, #tpu.memory_space<vmem>>, vector<16xi32>,
    %select_n3A_125 = arith.select %lt3A_122, %get3A_124, %gather3A_120 : vector<16xi1>, vector<16xi32>
    %add3A_126 = arith.constant 16 : i32
    %add3A_127 = vector.broadcast %add3A_126 : i32 to vector<16xi32>
    %add3A_128 = arith.addi %iota3A, %add3A_127 : vector<16xi32>
    %lt3A_129 = arith.cmpi slt, %add3A_128, %broadcast_in_dim3A_121 : vector<16xi32>
    %get3A_130 = arith.constant 16 : index
    %get3A_131 = tpu.vector_load %arg9[%get3A_130] {strides = array<i32>} : memref<2064xi32, #tpu.memory_space<vmem>>, vector<16xi32>,
    %select_n3A_132 = arith.select %lt3A_129, %get3A_131, %gather3A_120 : vector<16xi1>, vector<16xi32>
    %gather3A_133 = tpu.vector_load_idx %arg5[%select_n3A_125] : memref<2048xf32, #tpu.memory_space<vmem>>[vector<16xi32>], vector<16xf32>,
    %swap3A_134 = arith.constant 0 : index
    %swap3A_135 = tpu.vector_load %arg10[%swap3A_134] {strides = array<i32>} : memref<144xf32, #tpu.memory_space<vmem>>, vector<16xf32>,
    tpu.vector_store %arg10[%swap3A_134], %gather3A_133 {strides = array<i32>} : memref<144xf32, #tpu.memory_space<vmem>>, vector<16xf32>,
    %gather3A_136 = tpu.vector_load_idx %arg5[%select_n3A_132] : memref<2048xf32, #tpu.memory_space<vmem>>[vector<16xi32>], vector<16xf32>,
    %swap3A_137 = arith.constant 16 : index
    %swap3A_138 = tpu.vector_load %arg10[%swap3A_137] {strides = array<i32>} : memref<144xf32, #tpu.memory_space<vmem>>, vector<16xf32>,
    tpu.vector_store %arg10[%swap3A_137], %gather3A_136 {strides = array<i32>} : memref<144xf32, #tpu.memory_space<vmem>>, vector<16xf32>,
    %swap3A_139 = arith.constant 32 : index
    %swap3A_140 = tpu.vector_load %arg10[%swap3A_139] {strides = array<i32>} : memref<144xf32, #tpu.memory_space<vmem>>, vector<16xf32>,
    tpu.vector_store %arg10[%swap3A_139], %gather3A_110 {strides = array<i32>} : memref<144xf32, #tpu.memory_space<vmem>>, vector<16xf32>,
    %gather3A_141 = tpu.vector_load_idx %arg6[%select_n3A_125] : memref<2048xf32, #tpu.memory_space<vmem>>[vector<16xi32>], vector<16xf32>,
    %swap3A_142 = arith.constant 48 : index
    %swap3A_143 = tpu.vector_load %arg10[%swap3A_142] {strides = array<i32>} : memref<144xf32, #tpu.memory_space<vmem>>, vector<16xf32>,
    tpu.vector_store %arg10[%swap3A_142], %gather3A_141 {strides = array<i32>} : memref<144xf32, #tpu.memory_space<vmem>>, vector<16xf32>,
    %gather3A_144 = tpu.vector_load_idx %arg6[%select_n3A_132] : memref<2048xf32, #tpu.memory_space<vmem>>[vector<16xi32>], vector<16xf32>,
    %swap3A_145 = arith.constant 64 : index
    %swap3A_146 = tpu.vector_load %arg10[%swap3A_145] {strides = array<i32>} : memref<144xf32, #tpu.memory_space<vmem>>, vector<16xf32>,
    tpu.vector_store %arg10[%swap3A_145], %gather3A_144 {strides = array<i32>} : memref<144xf32, #tpu.memory_space<vmem>>, vector<16xf32>,
    %swap3A_147 = arith.constant 80 : index
    %swap3A_148 = tpu.vector_load %arg10[%swap3A_147] {strides = array<i32>} : memref<144xf32, #tpu.memory_space<vmem>>, vector<16xf32>,
    tpu.vector_store %arg10[%swap3A_147], %gather3A_111 {strides = array<i32>} : memref<144xf32, #tpu.memory_space<vmem>>, vector<16xf32>,
    %gather3A_149 = tpu.vector_load_idx %arg7[%select_n3A_125] : memref<2048xf32, #tpu.memory_space<vmem>>[vector<16xi32>], vector<16xf32>,
    %swap3A_150 = arith.constant 96 : index
    %swap3A_151 = tpu.vector_load %arg10[%swap3A_150] {strides = array<i32>} : memref<144xf32, #tpu.memory_space<vmem>>, vector<16xf32>,
    tpu.vector_store %arg10[%swap3A_150], %gather3A_149 {strides = array<i32>} : memref<144xf32, #tpu.memory_space<vmem>>, vector<16xf32>,
    %gather3A_152 = tpu.vector_load_idx %arg7[%select_n3A_132] : memref<2048xf32, #tpu.memory_space<vmem>>[vector<16xi32>], vector<16xf32>,
    %swap3A_153 = arith.constant 112 : index
    %swap3A_154 = tpu.vector_load %arg10[%swap3A_153] {strides = array<i32>} : memref<144xf32, #tpu.memory_space<vmem>>, vector<16xf32>,
    tpu.vector_store %arg10[%swap3A_153], %gather3A_152 {strides = array<i32>} : memref<144xf32, #tpu.memory_space<vmem>>, vector<16xf32>,
    %swap3A_155 = arith.constant 128 : index
    %swap3A_156 = tpu.vector_load %arg10[%swap3A_155] {strides = array<i32>} : memref<144xf32, #tpu.memory_space<vmem>>, vector<16xf32>,
    tpu.vector_store %arg10[%swap3A_155], %gather3A_112 {strides = array<i32>} : memref<144xf32, #tpu.memory_space<vmem>>, vector<16xf32>,
    %mul3A_157 = arith.constant 16 : i32
    %mul3A_158 = arith.muli %select_n3A, %mul3A_157 : i32
    %add3A_159 = arith.addi %mul3A_158, %add3A_107 : i32
    %mul3A_160 = arith.constant 144 : i32
    %mul3A_161 = arith.muli %add3A_159, %mul3A_160 : i32
    "tpu.region"() ({
      %run_scoped3A = tpu.sem_alloc : memref<!tpu.dma_semaphore, #tpu.memory_space<semaphore_mem>>
      %dma_start3A = tpu.memref_slice %arg4[%mul3A_161] : memref<18432xf32, #tpu.memory_space<hbm>> -> memref<144xf32, #tpu.memory_space<hbm>>
      %dma_start3A_274 = tpu.memref_slice %arg4[%mul3A_161] : memref<18432xf32, #tpu.memory_space<hbm>> -> memref<144xf32, #tpu.memory_space<hbm>>
      tpu.enqueue_dma source(%arg10 : memref<144xf32, #tpu.memory_space<vmem>>) target(%dma_start3A_274 : memref<144xf32, #tpu.memory_space<hbm>>) target_semaphore(%run_scoped3A : memref<!tpu.dma_semaphore, #tpu.memory_space<semaphore_mem>>)
      %dma_wait3A = tpu.memref_slice %arg4[%mul3A_161] : memref<18432xf32, #tpu.memory_space<hbm>> -> memref<144xf32, #tpu.memory_space<hbm>>
      %dma_wait3A_275 = tpu.memref_slice %arg4[%mul3A_161] : memref<18432xf32, #tpu.memory_space<hbm>> -> memref<144xf32, #tpu.memory_space<hbm>>
      tpu.wait_dma2 semaphore(%run_scoped3A : memref<!tpu.dma_semaphore, #tpu.memory_space<semaphore_mem>>) src(%arg10 : memref<144xf32, #tpu.memory_space<vmem>>) dst(%dma_wait3A_275 : memref<144xf32, #tpu.memory_space<hbm>>)
      tpu.yield
    }) : () -> ()
    %add3A_162 = arith.constant 2 : i32
    %add3A_163 = arith.addi %mul3A_32, %add3A_162 : i32
    %broadcast_in_dim3A_164 = vector.broadcast %add3A_163 : i32 to vector<16xi32>
    %gather3A_165 = tpu.vector_load_idx %arg8[%broadcast_in_dim3A_164] : memref<128xi32, #tpu.memory_space<vmem>>[vector<16xi32>], vector<16xi32>,
    %gather3A_166 = tpu.vector_load_idx %arg5[%gather3A_165] : memref<2048xf32, #tpu.memory_space<vmem>>[vector<16xi32>], vector<16xf32>,
    %gather3A_167 = tpu.vector_load_idx %arg6[%gather3A_165] : memref<2048xf32, #tpu.memory_space<vmem>>[vector<16xi32>], vector<16xf32>,
    %gather3A_168 = tpu.vector_load_idx %arg7[%gather3A_165] : memref<2048xf32, #tpu.memory_space<vmem>>[vector<16xi32>], vector<16xf32>,
    %scan3A_169 = arith.constant 0 : i32
    %scan3A_170 = arith.constant 0 : i32
    %scan3A_171 = arith.constant 128 : i32
    %scan3A_172 = arith.addi %scan3A_170, %scan3A_171 : i32
    %scan3A_173 = arith.constant 1 : i32
    %scan3A_174 = scf.for %scan3A_274 = %scan3A_170 to %scan3A_172 step %scan3A_173 iter_args(%scan3A_275 = %scan3A_169) -> (i32)  : i32 {
      %mul3A_276 = arith.constant 16 : i32
      %mul3A_277 = arith.muli %scan3A_274, %mul3A_276 : i32
      %get3A_278 = arith.index_cast %mul3A_277 : i32 to index
      %get3A_279 = tpu.vector_load %arg5[%get3A_278] {strides = array<i32>} : memref<2048xf32, #tpu.memory_space<vmem>>, vector<16xf32>,
      %mul3A_280 = arith.constant 16 : i32
      %mul3A_281 = arith.muli %scan3A_274, %mul3A_280 : i32
      %get3A_282 = arith.index_cast %mul3A_281 : i32 to index
      %get3A_283 = tpu.vector_load %arg6[%get3A_282] {strides = array<i32>} : memref<2048xf32, #tpu.memory_space<vmem>>, vector<16xf32>,
      %mul3A_284 = arith.constant 16 : i32
      %mul3A_285 = arith.muli %scan3A_274, %mul3A_284 : i32
      %get3A_286 = arith.index_cast %mul3A_285 : i32 to index
      %get3A_287 = tpu.vector_load %arg7[%get3A_286] {strides = array<i32>} : memref<2048xf32, #tpu.memory_space<vmem>>, vector<16xf32>,
      %sub3A_288 = arith.subf %get3A_279, %gather3A_166 : vector<16xf32>
      %sub3A_289 = arith.subf %get3A_283, %gather3A_167 : vector<16xf32>
      %sub3A_290 = arith.subf %get3A_287, %gather3A_168 : vector<16xf32>
      %mul3A_291 = arith.mulf %sub3A_288, %sub3A_288 : vector<16xf32>
      %mul3A_292 = arith.mulf %sub3A_289, %sub3A_289 : vector<16xf32>
      %add3A_293 = arith.addf %mul3A_291, %mul3A_292 : vector<16xf32>
      %mul3A_294 = arith.mulf %sub3A_290, %sub3A_290 : vector<16xf32>
      %add3A_295 = arith.addf %add3A_293, %mul3A_294 : vector<16xf32>
      %le3A = arith.constant 9.000000e-02 : f32
      %le3A_296 = vector.broadcast %le3A : f32 to vector<16xf32>
      %le3A_297 = arith.cmpf ole, %add3A_295, %le3A_296 : vector<16xf32>
      %mul3A_298 = arith.constant 16 : i32
      %mul3A_299 = arith.muli %scan3A_274, %mul3A_298 : i32
      %add3A_300 = vector.broadcast %mul3A_299 : i32 to vector<16xi32>
      %add3A_301 = arith.addi %iota3A, %add3A_300 : vector<16xi32>
      %swap3A_302 = arith.index_cast %scan3A_275 : i32 to index
      %swap3A_303 = tpu.vector_load %arg9[%swap3A_302] masked %le3A_297 {strides = array<i32>} : memref<2064xi32, #tpu.memory_space<vmem>>, vector<16xi32>, vector<16xi1>
      tpu.vector_store %arg9[%swap3A_302], %add3A_301 masked %le3A_297 {strides = array<i32>} : memref<2064xi32, #tpu.memory_space<vmem>>, vector<16xi32>, vector<16xi1>
      %all_reduce_population_count3A = tpu.all_reduce %le3A_297 {dim = 0 : i64, kind = #tpu.reduction_kind<sum>} : vector<16xi1> -> vector<16xi32>
      %reduce_max3A = arith.constant true
      %reduce_max3A_304 = vector.broadcast %reduce_max3A : i1 to vector<16xi1>
      %reduce_max3A_305 = arith.constant -2147483648 : i32
      %reduce_max3A_306 = vector.broadcast %reduce_max3A_305 : i32 to vector<16xi32>
      %reduce_max3A_307 = arith.xori %all_reduce_population_count3A, %reduce_max3A_306 : vector<16xi32>
      %reduce_max3A_308 = tpu.scan <max>, %reduce_max3A_307 masked %reduce_max3A_304 : vector<16xi32>, vector<16xi1> -> vector<16xi32>
      %reduce_max3A_309 = arith.xori %reduce_max3A_308, %reduce_max3A_306 : vector<16xi32>
      %reduce_max3A_310 = vector.extract %reduce_max3A_309[15] : i32 from vector<16xi32>
      %add3A_311 = arith.addi %scan3A_275, %reduce_max3A_310 : i32
      scf.yield %add3A_311 : i32
    }
    %scan3A_175 = arith.constant 128 : i32
    %gather3A_176 = tpu.vector_load_idx %arg9[%broadcast_in_dim3A_53] : memref<2064xi32, #tpu.memory_space<vmem>>[vector<16xi32>], vector<16xi32>,
    %broadcast_in_dim3A_177 = vector.broadcast %scan3A_174 : i32 to vector<16xi32>
    %lt3A_178 = arith.cmpi slt, %iota3A, %broadcast_in_dim3A_177 : vector<16xi32>
    %get3A_179 = arith.constant 0 : index
    %get3A_180 = tpu.vector_load %arg9[%get3A_179] {strides = array<i32>} : memref<2064xi32, #tpu.memory_space<vmem>>, vector<16xi32>,
    %select_n3A_181 = arith.select %lt3A_178, %get3A_180, %gather3A_176 : vector<16xi1>, vector<16xi32>
    %add3A_182 = arith.constant 16 : i32
    %add3A_183 = vector.broadcast %add3A_182 : i32 to vector<16xi32>
    %add3A_184 = arith.addi %iota3A, %add3A_183 : vector<16xi32>
    %lt3A_185 = arith.cmpi slt, %add3A_184, %broadcast_in_dim3A_177 : vector<16xi32>
    %get3A_186 = arith.constant 16 : index
    %get3A_187 = tpu.vector_load %arg9[%get3A_186] {strides = array<i32>} : memref<2064xi32, #tpu.memory_space<vmem>>, vector<16xi32>,
    %select_n3A_188 = arith.select %lt3A_185, %get3A_187, %gather3A_176 : vector<16xi1>, vector<16xi32>
    %gather3A_189 = tpu.vector_load_idx %arg5[%select_n3A_181] : memref<2048xf32, #tpu.memory_space<vmem>>[vector<16xi32>], vector<16xf32>,
    %swap3A_190 = arith.constant 0 : index
    %swap3A_191 = tpu.vector_load %arg10[%swap3A_190] {strides = array<i32>} : memref<144xf32, #tpu.memory_space<vmem>>, vector<16xf32>,
    tpu.vector_store %arg10[%swap3A_190], %gather3A_189 {strides = array<i32>} : memref<144xf32, #tpu.memory_space<vmem>>, vector<16xf32>,
    %gather3A_192 = tpu.vector_load_idx %arg5[%select_n3A_188] : memref<2048xf32, #tpu.memory_space<vmem>>[vector<16xi32>], vector<16xf32>,
    %swap3A_193 = arith.constant 16 : index
    %swap3A_194 = tpu.vector_load %arg10[%swap3A_193] {strides = array<i32>} : memref<144xf32, #tpu.memory_space<vmem>>, vector<16xf32>,
    tpu.vector_store %arg10[%swap3A_193], %gather3A_192 {strides = array<i32>} : memref<144xf32, #tpu.memory_space<vmem>>, vector<16xf32>,
    %swap3A_195 = arith.constant 32 : index
    %swap3A_196 = tpu.vector_load %arg10[%swap3A_195] {strides = array<i32>} : memref<144xf32, #tpu.memory_space<vmem>>, vector<16xf32>,
    tpu.vector_store %arg10[%swap3A_195], %gather3A_166 {strides = array<i32>} : memref<144xf32, #tpu.memory_space<vmem>>, vector<16xf32>,
    %gather3A_197 = tpu.vector_load_idx %arg6[%select_n3A_181] : memref<2048xf32, #tpu.memory_space<vmem>>[vector<16xi32>], vector<16xf32>,
    %swap3A_198 = arith.constant 48 : index
    %swap3A_199 = tpu.vector_load %arg10[%swap3A_198] {strides = array<i32>} : memref<144xf32, #tpu.memory_space<vmem>>, vector<16xf32>,
    tpu.vector_store %arg10[%swap3A_198], %gather3A_197 {strides = array<i32>} : memref<144xf32, #tpu.memory_space<vmem>>, vector<16xf32>,
    %gather3A_200 = tpu.vector_load_idx %arg6[%select_n3A_188] : memref<2048xf32, #tpu.memory_space<vmem>>[vector<16xi32>], vector<16xf32>,
    %swap3A_201 = arith.constant 64 : index
    %swap3A_202 = tpu.vector_load %arg10[%swap3A_201] {strides = array<i32>} : memref<144xf32, #tpu.memory_space<vmem>>, vector<16xf32>,
    tpu.vector_store %arg10[%swap3A_201], %gather3A_200 {strides = array<i32>} : memref<144xf32, #tpu.memory_space<vmem>>, vector<16xf32>,
    %swap3A_203 = arith.constant 80 : index
    %swap3A_204 = tpu.vector_load %arg10[%swap3A_203] {strides = array<i32>} : memref<144xf32, #tpu.memory_space<vmem>>, vector<16xf32>,
    tpu.vector_store %arg10[%swap3A_203], %gather3A_167 {strides = array<i32>} : memref<144xf32, #tpu.memory_space<vmem>>, vector<16xf32>,
    %gather3A_205 = tpu.vector_load_idx %arg7[%select_n3A_181] : memref<2048xf32, #tpu.memory_space<vmem>>[vector<16xi32>], vector<16xf32>,
    %swap3A_206 = arith.constant 96 : index
    %swap3A_207 = tpu.vector_load %arg10[%swap3A_206] {strides = array<i32>} : memref<144xf32, #tpu.memory_space<vmem>>, vector<16xf32>,
    tpu.vector_store %arg10[%swap3A_206], %gather3A_205 {strides = array<i32>} : memref<144xf32, #tpu.memory_space<vmem>>, vector<16xf32>,
    %gather3A_208 = tpu.vector_load_idx %arg7[%select_n3A_188] : memref<2048xf32, #tpu.memory_space<vmem>>[vector<16xi32>], vector<16xf32>,
    %swap3A_209 = arith.constant 112 : index
    %swap3A_210 = tpu.vector_load %arg10[%swap3A_209] {strides = array<i32>} : memref<144xf32, #tpu.memory_space<vmem>>, vector<16xf32>,
    tpu.vector_store %arg10[%swap3A_209], %gather3A_208 {strides = array<i32>} : memref<144xf32, #tpu.memory_space<vmem>>, vector<16xf32>,
    %swap3A_211 = arith.constant 128 : index
    %swap3A_212 = tpu.vector_load %arg10[%swap3A_211] {strides = array<i32>} : memref<144xf32, #tpu.memory_space<vmem>>, vector<16xf32>,
    tpu.vector_store %arg10[%swap3A_211], %gather3A_168 {strides = array<i32>} : memref<144xf32, #tpu.memory_space<vmem>>, vector<16xf32>,
    %mul3A_213 = arith.constant 16 : i32
    %mul3A_214 = arith.muli %select_n3A, %mul3A_213 : i32
    %add3A_215 = arith.addi %mul3A_214, %add3A_163 : i32
    %mul3A_216 = arith.constant 144 : i32
    %mul3A_217 = arith.muli %add3A_215, %mul3A_216 : i32
    "tpu.region"() ({
      %run_scoped3A = tpu.sem_alloc : memref<!tpu.dma_semaphore, #tpu.memory_space<semaphore_mem>>
      %dma_start3A = tpu.memref_slice %arg4[%mul3A_217] : memref<18432xf32, #tpu.memory_space<hbm>> -> memref<144xf32, #tpu.memory_space<hbm>>
      %dma_start3A_274 = tpu.memref_slice %arg4[%mul3A_217] : memref<18432xf32, #tpu.memory_space<hbm>> -> memref<144xf32, #tpu.memory_space<hbm>>
      tpu.enqueue_dma source(%arg10 : memref<144xf32, #tpu.memory_space<vmem>>) target(%dma_start3A_274 : memref<144xf32, #tpu.memory_space<hbm>>) target_semaphore(%run_scoped3A : memref<!tpu.dma_semaphore, #tpu.memory_space<semaphore_mem>>)
      %dma_wait3A = tpu.memref_slice %arg4[%mul3A_217] : memref<18432xf32, #tpu.memory_space<hbm>> -> memref<144xf32, #tpu.memory_space<hbm>>
      %dma_wait3A_275 = tpu.memref_slice %arg4[%mul3A_217] : memref<18432xf32, #tpu.memory_space<hbm>> -> memref<144xf32, #tpu.memory_space<hbm>>
      tpu.wait_dma2 semaphore(%run_scoped3A : memref<!tpu.dma_semaphore, #tpu.memory_space<semaphore_mem>>) src(%arg10 : memref<144xf32, #tpu.memory_space<vmem>>) dst(%dma_wait3A_275 : memref<144xf32, #tpu.memory_space<hbm>>)
      tpu.yield
    }) : () -> ()
    %add3A_218 = arith.constant 3 : i32
    %add3A_219 = arith.addi %mul3A_32, %add3A_218 : i32
    %broadcast_in_dim3A_220 = vector.broadcast %add3A_219 : i32 to vector<16xi32>
    %gather3A_221 = tpu.vector_load_idx %arg8[%broadcast_in_dim3A_220] : memref<128xi32, #tpu.memory_space<vmem>>[vector<16xi32>], vector<16xi32>,
    %gather3A_222 = tpu.vector_load_idx %arg5[%gather3A_221] : memref<2048xf32, #tpu.memory_space<vmem>>[vector<16xi32>], vector<16xf32>,
    %gather3A_223 = tpu.vector_load_idx %arg6[%gather3A_221] : memref<2048xf32, #tpu.memory_space<vmem>>[vector<16xi32>], vector<16xf32>,
    %gather3A_224 = tpu.vector_load_idx %arg7[%gather3A_221] : memref<2048xf32, #tpu.memory_space<vmem>>[vector<16xi32>], vector<16xf32>,
    %scan3A_225 = arith.constant 0 : i32
    %scan3A_226 = arith.constant 0 : i32
    %scan3A_227 = arith.constant 128 : i32
    %scan3A_228 = arith.addi %scan3A_226, %scan3A_227 : i32
    %scan3A_229 = arith.constant 1 : i32
    %scan3A_230 = scf.for %scan3A_274 = %scan3A_226 to %scan3A_228 step %scan3A_229 iter_args(%scan3A_275 = %scan3A_225) -> (i32)  : i32 {
      %mul3A_276 = arith.constant 16 : i32
      %mul3A_277 = arith.muli %scan3A_274, %mul3A_276 : i32
      %get3A_278 = arith.index_cast %mul3A_277 : i32 to index
      %get3A_279 = tpu.vector_load %arg5[%get3A_278] {strides = array<i32>} : memref<2048xf32, #tpu.memory_space<vmem>>, vector<16xf32>,
      %mul3A_280 = arith.constant 16 : i32
      %mul3A_281 = arith.muli %scan3A_274, %mul3A_280 : i32
      %get3A_282 = arith.index_cast %mul3A_281 : i32 to index
      %get3A_283 = tpu.vector_load %arg6[%get3A_282] {strides = array<i32>} : memref<2048xf32, #tpu.memory_space<vmem>>, vector<16xf32>,
      %mul3A_284 = arith.constant 16 : i32
      %mul3A_285 = arith.muli %scan3A_274, %mul3A_284 : i32
      %get3A_286 = arith.index_cast %mul3A_285 : i32 to index
      %get3A_287 = tpu.vector_load %arg7[%get3A_286] {strides = array<i32>} : memref<2048xf32, #tpu.memory_space<vmem>>, vector<16xf32>,
      %sub3A_288 = arith.subf %get3A_279, %gather3A_222 : vector<16xf32>
      %sub3A_289 = arith.subf %get3A_283, %gather3A_223 : vector<16xf32>
      %sub3A_290 = arith.subf %get3A_287, %gather3A_224 : vector<16xf32>
      %mul3A_291 = arith.mulf %sub3A_288, %sub3A_288 : vector<16xf32>
      %mul3A_292 = arith.mulf %sub3A_289, %sub3A_289 : vector<16xf32>
      %add3A_293 = arith.addf %mul3A_291, %mul3A_292 : vector<16xf32>
      %mul3A_294 = arith.mulf %sub3A_290, %sub3A_290 : vector<16xf32>
      %add3A_295 = arith.addf %add3A_293, %mul3A_294 : vector<16xf32>
      %le3A = arith.constant 9.000000e-02 : f32
      %le3A_296 = vector.broadcast %le3A : f32 to vector<16xf32>
      %le3A_297 = arith.cmpf ole, %add3A_295, %le3A_296 : vector<16xf32>
      %mul3A_298 = arith.constant 16 : i32
      %mul3A_299 = arith.muli %scan3A_274, %mul3A_298 : i32
      %add3A_300 = vector.broadcast %mul3A_299 : i32 to vector<16xi32>
      %add3A_301 = arith.addi %iota3A, %add3A_300 : vector<16xi32>
      %swap3A_302 = arith.index_cast %scan3A_275 : i32 to index
      %swap3A_303 = tpu.vector_load %arg9[%swap3A_302] masked %le3A_297 {strides = array<i32>} : memref<2064xi32, #tpu.memory_space<vmem>>, vector<16xi32>, vector<16xi1>
      tpu.vector_store %arg9[%swap3A_302], %add3A_301 masked %le3A_297 {strides = array<i32>} : memref<2064xi32, #tpu.memory_space<vmem>>, vector<16xi32>, vector<16xi1>
      %all_reduce_population_count3A = tpu.all_reduce %le3A_297 {dim = 0 : i64, kind = #tpu.reduction_kind<sum>} : vector<16xi1> -> vector<16xi32>
      %reduce_max3A = arith.constant true
      %reduce_max3A_304 = vector.broadcast %reduce_max3A : i1 to vector<16xi1>
      %reduce_max3A_305 = arith.constant -2147483648 : i32
      %reduce_max3A_306 = vector.broadcast %reduce_max3A_305 : i32 to vector<16xi32>
      %reduce_max3A_307 = arith.xori %all_reduce_population_count3A, %reduce_max3A_306 : vector<16xi32>
      %reduce_max3A_308 = tpu.scan <max>, %reduce_max3A_307 masked %reduce_max3A_304 : vector<16xi32>, vector<16xi1> -> vector<16xi32>
      %reduce_max3A_309 = arith.xori %reduce_max3A_308, %reduce_max3A_306 : vector<16xi32>
      %reduce_max3A_310 = vector.extract %reduce_max3A_309[15] : i32 from vector<16xi32>
      %add3A_311 = arith.addi %scan3A_275, %reduce_max3A_310 : i32
      scf.yield %add3A_311 : i32
    }
    %scan3A_231 = arith.constant 128 : i32
    %gather3A_232 = tpu.vector_load_idx %arg9[%broadcast_in_dim3A_53] : memref<2064xi32, #tpu.memory_space<vmem>>[vector<16xi32>], vector<16xi32>,
    %broadcast_in_dim3A_233 = vector.broadcast %scan3A_230 : i32 to vector<16xi32>
    %lt3A_234 = arith.cmpi slt, %iota3A, %broadcast_in_dim3A_233 : vector<16xi32>
    %get3A_235 = arith.constant 0 : index
    %get3A_236 = tpu.vector_load %arg9[%get3A_235] {strides = array<i32>} : memref<2064xi32, #tpu.memory_space<vmem>>, vector<16xi32>,
    %select_n3A_237 = arith.select %lt3A_234, %get3A_236, %gather3A_232 : vector<16xi1>, vector<16xi32>
    %add3A_238 = arith.constant 16 : i32
    %add3A_239 = vector.broadcast %add3A_238 : i32 to vector<16xi32>
    %add3A_240 = arith.addi %iota3A, %add3A_239 : vector<16xi32>
    %lt3A_241 = arith.cmpi slt, %add3A_240, %broadcast_in_dim3A_233 : vector<16xi32>
    %get3A_242 = arith.constant 16 : index
    %get3A_243 = tpu.vector_load %arg9[%get3A_242] {strides = array<i32>} : memref<2064xi32, #tpu.memory_space<vmem>>, vector<16xi32>,
    %select_n3A_244 = arith.select %lt3A_241, %get3A_243, %gather3A_232 : vector<16xi1>, vector<16xi32>
    %gather3A_245 = tpu.vector_load_idx %arg5[%select_n3A_237] : memref<2048xf32, #tpu.memory_space<vmem>>[vector<16xi32>], vector<16xf32>,
    %swap3A_246 = arith.constant 0 : index
    %swap3A_247 = tpu.vector_load %arg10[%swap3A_246] {strides = array<i32>} : memref<144xf32, #tpu.memory_space<vmem>>, vector<16xf32>,
    tpu.vector_store %arg10[%swap3A_246], %gather3A_245 {strides = array<i32>} : memref<144xf32, #tpu.memory_space<vmem>>, vector<16xf32>,
    %gather3A_248 = tpu.vector_load_idx %arg5[%select_n3A_244] : memref<2048xf32, #tpu.memory_space<vmem>>[vector<16xi32>], vector<16xf32>,
    %swap3A_249 = arith.constant 16 : index
    %swap3A_250 = tpu.vector_load %arg10[%swap3A_249] {strides = array<i32>} : memref<144xf32, #tpu.memory_space<vmem>>, vector<16xf32>,
    tpu.vector_store %arg10[%swap3A_249], %gather3A_248 {strides = array<i32>} : memref<144xf32, #tpu.memory_space<vmem>>, vector<16xf32>,
    %swap3A_251 = arith.constant 32 : index
    %swap3A_252 = tpu.vector_load %arg10[%swap3A_251] {strides = array<i32>} : memref<144xf32, #tpu.memory_space<vmem>>, vector<16xf32>,
    tpu.vector_store %arg10[%swap3A_251], %gather3A_222 {strides = array<i32>} : memref<144xf32, #tpu.memory_space<vmem>>, vector<16xf32>,
    %gather3A_253 = tpu.vector_load_idx %arg6[%select_n3A_237] : memref<2048xf32, #tpu.memory_space<vmem>>[vector<16xi32>], vector<16xf32>,
    %swap3A_254 = arith.constant 48 : index
    %swap3A_255 = tpu.vector_load %arg10[%swap3A_254] {strides = array<i32>} : memref<144xf32, #tpu.memory_space<vmem>>, vector<16xf32>,
    tpu.vector_store %arg10[%swap3A_254], %gather3A_253 {strides = array<i32>} : memref<144xf32, #tpu.memory_space<vmem>>, vector<16xf32>,
    %gather3A_256 = tpu.vector_load_idx %arg6[%select_n3A_244] : memref<2048xf32, #tpu.memory_space<vmem>>[vector<16xi32>], vector<16xf32>,
    %swap3A_257 = arith.constant 64 : index
    %swap3A_258 = tpu.vector_load %arg10[%swap3A_257] {strides = array<i32>} : memref<144xf32, #tpu.memory_space<vmem>>, vector<16xf32>,
    tpu.vector_store %arg10[%swap3A_257], %gather3A_256 {strides = array<i32>} : memref<144xf32, #tpu.memory_space<vmem>>, vector<16xf32>,
    %swap3A_259 = arith.constant 80 : index
    %swap3A_260 = tpu.vector_load %arg10[%swap3A_259] {strides = array<i32>} : memref<144xf32, #tpu.memory_space<vmem>>, vector<16xf32>,
    tpu.vector_store %arg10[%swap3A_259], %gather3A_223 {strides = array<i32>} : memref<144xf32, #tpu.memory_space<vmem>>, vector<16xf32>,
    %gather3A_261 = tpu.vector_load_idx %arg7[%select_n3A_237] : memref<2048xf32, #tpu.memory_space<vmem>>[vector<16xi32>], vector<16xf32>,
    %swap3A_262 = arith.constant 96 : index
    %swap3A_263 = tpu.vector_load %arg10[%swap3A_262] {strides = array<i32>} : memref<144xf32, #tpu.memory_space<vmem>>, vector<16xf32>,
    tpu.vector_store %arg10[%swap3A_262], %gather3A_261 {strides = array<i32>} : memref<144xf32, #tpu.memory_space<vmem>>, vector<16xf32>,
    %gather3A_264 = tpu.vector_load_idx %arg7[%select_n3A_244] : memref<2048xf32, #tpu.memory_space<vmem>>[vector<16xi32>], vector<16xf32>,
    %swap3A_265 = arith.constant 112 : index
    %swap3A_266 = tpu.vector_load %arg10[%swap3A_265] {strides = array<i32>} : memref<144xf32, #tpu.memory_space<vmem>>, vector<16xf32>,
    tpu.vector_store %arg10[%swap3A_265], %gather3A_264 {strides = array<i32>} : memref<144xf32, #tpu.memory_space<vmem>>, vector<16xf32>,
    %swap3A_267 = arith.constant 128 : index
    %swap3A_268 = tpu.vector_load %arg10[%swap3A_267] {strides = array<i32>} : memref<144xf32, #tpu.memory_space<vmem>>, vector<16xf32>,
    tpu.vector_store %arg10[%swap3A_267], %gather3A_224 {strides = array<i32>} : memref<144xf32, #tpu.memory_space<vmem>>, vector<16xf32>,
    %mul3A_269 = arith.constant 16 : i32
    %mul3A_270 = arith.muli %select_n3A, %mul3A_269 : i32
    %add3A_271 = arith.addi %mul3A_270, %add3A_219 : i32
    %mul3A_272 = arith.constant 144 : i32
    %mul3A_273 = arith.muli %add3A_271, %mul3A_272 : i32
    "tpu.region"() ({
      %run_scoped3A = tpu.sem_alloc : memref<!tpu.dma_semaphore, #tpu.memory_space<semaphore_mem>>
      %dma_start3A = tpu.memref_slice %arg4[%mul3A_273] : memref<18432xf32, #tpu.memory_space<hbm>> -> memref<144xf32, #tpu.memory_space<hbm>>
      %dma_start3A_274 = tpu.memref_slice %arg4[%mul3A_273] : memref<18432xf32, #tpu.memory_space<hbm>> -> memref<144xf32, #tpu.memory_space<hbm>>
      tpu.enqueue_dma source(%arg10 : memref<144xf32, #tpu.memory_space<vmem>>) target(%dma_start3A_274 : memref<144xf32, #tpu.memory_space<hbm>>) target_semaphore(%run_scoped3A : memref<!tpu.dma_semaphore, #tpu.memory_space<semaphore_mem>>)
      %dma_wait3A = tpu.memref_slice %arg4[%mul3A_273] : memref<18432xf32, #tpu.memory_space<hbm>> -> memref<144xf32, #tpu.memory_space<hbm>>
      %dma_wait3A_275 = tpu.memref_slice %arg4[%mul3A_273] : memref<18432xf32, #tpu.memory_space<hbm>> -> memref<144xf32, #tpu.memory_space<hbm>>
      tpu.wait_dma2 semaphore(%run_scoped3A : memref<!tpu.dma_semaphore, #tpu.memory_space<semaphore_mem>>) src(%arg10 : memref<144xf32, #tpu.memory_space<vmem>>) dst(%dma_wait3A_275 : memref<144xf32, #tpu.memory_space<hbm>>)
      tpu.yield
    }) : () -> ()
    return
  }
}

module attributes {stable_mosaic.version = 14 : i64} {
  func.func @_fg_body(%arg0: memref<16384x256xf32, #tpu.memory_space<vmem>>, %arg1: memref<256x64xf32, #tpu.memory_space<vmem>>, %arg2: memref<1x64xf32, #tpu.memory_space<vmem>>, %arg3: memref<1x64xf32, #tpu.memory_space<vmem>>, %arg4: memref<1x64xf32, #tpu.memory_space<vmem>>, %arg5: memref<64x32xf32, #tpu.memory_space<vmem>>, %arg6: memref<1x32xf32, #tpu.memory_space<vmem>>, %arg7: memref<1x32xf32, #tpu.memory_space<vmem>>, %arg8: memref<1x32xf32, #tpu.memory_space<vmem>>, %arg9: memref<32x16xf32, #tpu.memory_space<vmem>>, %arg10: memref<1x16xf32, #tpu.memory_space<vmem>>, %arg11: memref<1x16xf32, #tpu.memory_space<vmem>>, %arg12: memref<1x16xf32, #tpu.memory_space<vmem>>, %arg13: memref<8x16xi32, #tpu.memory_space<vmem>>) attributes {dimension_semantics = [], scalar_prefetch = 0 : i64, scratch_operands = 0 : i64, tpu.core_type = #tpu.core_type<tc>} {
    %get3A = arith.constant 0 : index
    %get3A_0 = arith.constant 0 : index
    %get3A_1 = vector.load %arg0[%get3A, %get3A_0] : memref<16384x256xf32, #tpu.memory_space<vmem>>, vector<16384x256xf32>
    %get3A_2 = arith.constant 0 : index
    %get3A_3 = arith.constant 0 : index
    %get3A_4 = vector.load %arg1[%get3A_2, %get3A_3] : memref<256x64xf32, #tpu.memory_space<vmem>>, vector<256x64xf32>
    %convert_element_type3A = arith.truncf %get3A_1 : vector<16384x256xf32> to vector<16384x256xbf16>
    %convert_element_type3A_5 = arith.truncf %get3A_4 : vector<256x64xf32> to vector<256x64xbf16>
    %dot_general3A = arith.constant dense<0.000000e+00> : vector<16384x64xf32>
    %dot_general3A_6 = tpu.matmul %convert_element_type3A, %convert_element_type3A_5, %dot_general3A {dimension_numbers = #tpu.dot_dimension_numbers<[1], [0], [0], [1], [0, 0, 1, 1], [], []>, transpose_lhs_hint = false} : vector<16384x256xbf16>, vector<256x64xbf16>, vector<16384x64xf32> -> vector<16384x64xf32>
    %get3A_7 = arith.constant 0 : index
    %get3A_8 = arith.constant 0 : index
    %get3A_9 = vector.load %arg2[%get3A_7, %get3A_8] : memref<1x64xf32, #tpu.memory_space<vmem>>, vector<1x64xf32>
    %add3A = vector.broadcast %get3A_9 : vector<1x64xf32> to vector<16384x64xf32>
    %add3A_10 = arith.addf %dot_general3A_6, %add3A : vector<16384x64xf32>
    %get3A_11 = arith.constant 0 : index
    %get3A_12 = arith.constant 0 : index
    %get3A_13 = vector.load %arg3[%get3A_11, %get3A_12] : memref<1x64xf32, #tpu.memory_space<vmem>>, vector<1x64xf32>
    %get3A_14 = arith.constant 0 : index
    %get3A_15 = arith.constant 0 : index
    %get3A_16 = vector.load %arg4[%get3A_14, %get3A_15] : memref<1x64xf32, #tpu.memory_space<vmem>>, vector<1x64xf32>
    %reduce_sum3A = arith.constant dense<0.000000e+00> : vector<64xf32>
    %reduce_sum3A_17 = vector.multi_reduction <add>, %add3A_10, %reduce_sum3A [0] : vector<16384x64xf32> to vector<64xf32>
    %broadcast_in_dim3A = vector.shape_cast %reduce_sum3A_17 : vector<64xf32> to vector<1x64xf32>
    %div3A = arith.constant 1.638400e+04 : f32
    %div3A_18 = vector.broadcast %div3A : f32 to vector<1x64xf32>
    %div3A_19 = arith.divf %broadcast_in_dim3A, %div3A_18 : vector<1x64xf32>
    %sub3A = vector.broadcast %div3A_19 : vector<1x64xf32> to vector<16384x64xf32>
    %sub3A_20 = arith.subf %add3A_10, %sub3A : vector<16384x64xf32>
    %integer_pow3A = arith.mulf %sub3A_20, %sub3A_20 : vector<16384x64xf32>
    %reduce_sum3A_21 = arith.constant dense<0.000000e+00> : vector<64xf32>
    %reduce_sum3A_22 = vector.multi_reduction <add>, %integer_pow3A, %reduce_sum3A_21 [0] : vector<16384x64xf32> to vector<64xf32>
    %broadcast_in_dim3A_23 = vector.shape_cast %reduce_sum3A_22 : vector<64xf32> to vector<1x64xf32>
    %div3A_24 = arith.constant 1.638400e+04 : f32
    %div3A_25 = vector.broadcast %div3A_24 : f32 to vector<1x64xf32>
    %div3A_26 = arith.divf %broadcast_in_dim3A_23, %div3A_25 : vector<1x64xf32>
    %sub3A_27 = vector.broadcast %div3A_19 : vector<1x64xf32> to vector<16384x64xf32>
    %sub3A_28 = arith.subf %add3A_10, %sub3A_27 : vector<16384x64xf32>
    %add3A_29 = arith.constant 9.99999974E-6 : f32
    %add3A_30 = vector.broadcast %add3A_29 : f32 to vector<1x64xf32>
    %add3A_31 = arith.addf %div3A_26, %add3A_30 : vector<1x64xf32>
    %sqrt3A = math.sqrt %add3A_31 : vector<1x64xf32>
    %div3A_32 = vector.broadcast %sqrt3A : vector<1x64xf32> to vector<16384x64xf32>
    %div3A_33 = arith.divf %sub3A_28, %div3A_32 : vector<16384x64xf32>
    %mul3A = vector.broadcast %get3A_13 : vector<1x64xf32> to vector<16384x64xf32>
    %mul3A_34 = arith.mulf %div3A_33, %mul3A : vector<16384x64xf32>
    %add3A_35 = vector.broadcast %get3A_16 : vector<1x64xf32> to vector<16384x64xf32>
    %add3A_36 = arith.addf %mul3A_34, %add3A_35 : vector<16384x64xf32>
    %max3A = arith.constant 0.000000e+00 : f32
    %max3A_37 = vector.broadcast %max3A : f32 to vector<16384x64xf32>
    %max3A_38 = arith.maximumf %add3A_36, %max3A_37 : vector<16384x64xf32>
    %get3A_39 = arith.constant 0 : index
    %get3A_40 = arith.constant 0 : index
    %get3A_41 = vector.load %arg5[%get3A_39, %get3A_40] : memref<64x32xf32, #tpu.memory_space<vmem>>, vector<64x32xf32>
    %convert_element_type3A_42 = arith.truncf %max3A_38 : vector<16384x64xf32> to vector<16384x64xbf16>
    %convert_element_type3A_43 = arith.truncf %get3A_41 : vector<64x32xf32> to vector<64x32xbf16>
    %dot_general3A_44 = arith.constant dense<0.000000e+00> : vector<16384x32xf32>
    %dot_general3A_45 = tpu.matmul %convert_element_type3A_42, %convert_element_type3A_43, %dot_general3A_44 {dimension_numbers = #tpu.dot_dimension_numbers<[1], [0], [0], [1], [0, 0, 1, 1], [], []>, transpose_lhs_hint = false} : vector<16384x64xbf16>, vector<64x32xbf16>, vector<16384x32xf32> -> vector<16384x32xf32>
    %get3A_46 = arith.constant 0 : index
    %get3A_47 = arith.constant 0 : index
    %get3A_48 = vector.load %arg6[%get3A_46, %get3A_47] : memref<1x32xf32, #tpu.memory_space<vmem>>, vector<1x32xf32>
    %add3A_49 = vector.broadcast %get3A_48 : vector<1x32xf32> to vector<16384x32xf32>
    %add3A_50 = arith.addf %dot_general3A_45, %add3A_49 : vector<16384x32xf32>
    %get3A_51 = arith.constant 0 : index
    %get3A_52 = arith.constant 0 : index
    %get3A_53 = vector.load %arg7[%get3A_51, %get3A_52] : memref<1x32xf32, #tpu.memory_space<vmem>>, vector<1x32xf32>
    %get3A_54 = arith.constant 0 : index
    %get3A_55 = arith.constant 0 : index
    %get3A_56 = vector.load %arg8[%get3A_54, %get3A_55] : memref<1x32xf32, #tpu.memory_space<vmem>>, vector<1x32xf32>
    %reduce_sum3A_57 = arith.constant dense<0.000000e+00> : vector<32xf32>
    %reduce_sum3A_58 = vector.multi_reduction <add>, %add3A_50, %reduce_sum3A_57 [0] : vector<16384x32xf32> to vector<32xf32>
    %broadcast_in_dim3A_59 = vector.shape_cast %reduce_sum3A_58 : vector<32xf32> to vector<1x32xf32>
    %div3A_60 = arith.constant 1.638400e+04 : f32
    %div3A_61 = vector.broadcast %div3A_60 : f32 to vector<1x32xf32>
    %div3A_62 = arith.divf %broadcast_in_dim3A_59, %div3A_61 : vector<1x32xf32>
    %sub3A_63 = vector.broadcast %div3A_62 : vector<1x32xf32> to vector<16384x32xf32>
    %sub3A_64 = arith.subf %add3A_50, %sub3A_63 : vector<16384x32xf32>
    %integer_pow3A_65 = arith.mulf %sub3A_64, %sub3A_64 : vector<16384x32xf32>
    %reduce_sum3A_66 = arith.constant dense<0.000000e+00> : vector<32xf32>
    %reduce_sum3A_67 = vector.multi_reduction <add>, %integer_pow3A_65, %reduce_sum3A_66 [0] : vector<16384x32xf32> to vector<32xf32>
    %broadcast_in_dim3A_68 = vector.shape_cast %reduce_sum3A_67 : vector<32xf32> to vector<1x32xf32>
    %div3A_69 = arith.constant 1.638400e+04 : f32
    %div3A_70 = vector.broadcast %div3A_69 : f32 to vector<1x32xf32>
    %div3A_71 = arith.divf %broadcast_in_dim3A_68, %div3A_70 : vector<1x32xf32>
    %sub3A_72 = vector.broadcast %div3A_62 : vector<1x32xf32> to vector<16384x32xf32>
    %sub3A_73 = arith.subf %add3A_50, %sub3A_72 : vector<16384x32xf32>
    %add3A_74 = arith.constant 9.99999974E-6 : f32
    %add3A_75 = vector.broadcast %add3A_74 : f32 to vector<1x32xf32>
    %add3A_76 = arith.addf %div3A_71, %add3A_75 : vector<1x32xf32>
    %sqrt3A_77 = math.sqrt %add3A_76 : vector<1x32xf32>
    %div3A_78 = vector.broadcast %sqrt3A_77 : vector<1x32xf32> to vector<16384x32xf32>
    %div3A_79 = arith.divf %sub3A_73, %div3A_78 : vector<16384x32xf32>
    %mul3A_80 = vector.broadcast %get3A_53 : vector<1x32xf32> to vector<16384x32xf32>
    %mul3A_81 = arith.mulf %div3A_79, %mul3A_80 : vector<16384x32xf32>
    %add3A_82 = vector.broadcast %get3A_56 : vector<1x32xf32> to vector<16384x32xf32>
    %add3A_83 = arith.addf %mul3A_81, %add3A_82 : vector<16384x32xf32>
    %max3A_84 = arith.constant 0.000000e+00 : f32
    %max3A_85 = vector.broadcast %max3A_84 : f32 to vector<16384x32xf32>
    %max3A_86 = arith.maximumf %add3A_83, %max3A_85 : vector<16384x32xf32>
    %get3A_87 = arith.constant 0 : index
    %get3A_88 = arith.constant 0 : index
    %get3A_89 = vector.load %arg9[%get3A_87, %get3A_88] : memref<32x16xf32, #tpu.memory_space<vmem>>, vector<32x16xf32>
    %convert_element_type3A_90 = arith.truncf %max3A_86 : vector<16384x32xf32> to vector<16384x32xbf16>
    %convert_element_type3A_91 = arith.truncf %get3A_89 : vector<32x16xf32> to vector<32x16xbf16>
    %dot_general3A_92 = arith.constant dense<0.000000e+00> : vector<16384x16xf32>
    %dot_general3A_93 = tpu.matmul %convert_element_type3A_90, %convert_element_type3A_91, %dot_general3A_92 {dimension_numbers = #tpu.dot_dimension_numbers<[1], [0], [0], [1], [0, 0, 1, 1], [], []>, transpose_lhs_hint = false} : vector<16384x32xbf16>, vector<32x16xbf16>, vector<16384x16xf32> -> vector<16384x16xf32>
    %get3A_94 = arith.constant 0 : index
    %get3A_95 = arith.constant 0 : index
    %get3A_96 = vector.load %arg10[%get3A_94, %get3A_95] : memref<1x16xf32, #tpu.memory_space<vmem>>, vector<1x16xf32>
    %add3A_97 = vector.broadcast %get3A_96 : vector<1x16xf32> to vector<16384x16xf32>
    %add3A_98 = arith.addf %dot_general3A_93, %add3A_97 : vector<16384x16xf32>
    %get3A_99 = arith.constant 0 : index
    %get3A_100 = arith.constant 0 : index
    %get3A_101 = vector.load %arg11[%get3A_99, %get3A_100] : memref<1x16xf32, #tpu.memory_space<vmem>>, vector<1x16xf32>
    %get3A_102 = arith.constant 0 : index
    %get3A_103 = arith.constant 0 : index
    %get3A_104 = vector.load %arg12[%get3A_102, %get3A_103] : memref<1x16xf32, #tpu.memory_space<vmem>>, vector<1x16xf32>
    %reduce_sum3A_105 = arith.constant dense<0.000000e+00> : vector<16xf32>
    %reduce_sum3A_106 = vector.multi_reduction <add>, %add3A_98, %reduce_sum3A_105 [0] : vector<16384x16xf32> to vector<16xf32>
    %broadcast_in_dim3A_107 = vector.shape_cast %reduce_sum3A_106 : vector<16xf32> to vector<1x16xf32>
    %div3A_108 = arith.constant 1.638400e+04 : f32
    %div3A_109 = vector.broadcast %div3A_108 : f32 to vector<1x16xf32>
    %div3A_110 = arith.divf %broadcast_in_dim3A_107, %div3A_109 : vector<1x16xf32>
    %sub3A_111 = vector.broadcast %div3A_110 : vector<1x16xf32> to vector<16384x16xf32>
    %sub3A_112 = arith.subf %add3A_98, %sub3A_111 : vector<16384x16xf32>
    %integer_pow3A_113 = arith.mulf %sub3A_112, %sub3A_112 : vector<16384x16xf32>
    %reduce_sum3A_114 = arith.constant dense<0.000000e+00> : vector<16xf32>
    %reduce_sum3A_115 = vector.multi_reduction <add>, %integer_pow3A_113, %reduce_sum3A_114 [0] : vector<16384x16xf32> to vector<16xf32>
    %broadcast_in_dim3A_116 = vector.shape_cast %reduce_sum3A_115 : vector<16xf32> to vector<1x16xf32>
    %div3A_117 = arith.constant 1.638400e+04 : f32
    %div3A_118 = vector.broadcast %div3A_117 : f32 to vector<1x16xf32>
    %div3A_119 = arith.divf %broadcast_in_dim3A_116, %div3A_118 : vector<1x16xf32>
    %sub3A_120 = vector.broadcast %div3A_110 : vector<1x16xf32> to vector<16384x16xf32>
    %sub3A_121 = arith.subf %add3A_98, %sub3A_120 : vector<16384x16xf32>
    %add3A_122 = arith.constant 9.99999974E-6 : f32
    %add3A_123 = vector.broadcast %add3A_122 : f32 to vector<1x16xf32>
    %add3A_124 = arith.addf %div3A_119, %add3A_123 : vector<1x16xf32>
    %sqrt3A_125 = math.sqrt %add3A_124 : vector<1x16xf32>
    %div3A_126 = vector.broadcast %sqrt3A_125 : vector<1x16xf32> to vector<16384x16xf32>
    %div3A_127 = arith.divf %sub3A_121, %div3A_126 : vector<16384x16xf32>
    %mul3A_128 = vector.broadcast %get3A_101 : vector<1x16xf32> to vector<16384x16xf32>
    %mul3A_129 = arith.mulf %div3A_127, %mul3A_128 : vector<16384x16xf32>
    %add3A_130 = vector.broadcast %get3A_104 : vector<1x16xf32> to vector<16384x16xf32>
    %add3A_131 = arith.addf %mul3A_129, %add3A_130 : vector<16384x16xf32>
    %max3A_132 = arith.constant 0.000000e+00 : f32
    %max3A_133 = vector.broadcast %max3A_132 : f32 to vector<16384x16xf32>
    %max3A_134 = arith.maximumf %add3A_131, %max3A_133 : vector<16384x16xf32>
    %reshape3A = vector.shape_cast %max3A_134 : vector<16384x16xf32> to vector<8x2048x16xf32>
    %reduce_max3A = arith.constant dense<0xFF800000> : vector<8x16xf32>
    %reduce_max3A_135 = vector.multi_reduction <maximumf>, %reshape3A, %reduce_max3A [1] : vector<8x2048x16xf32> to vector<8x16xf32>
    %broadcast_in_dim3A_136 = vector.shape_cast %reduce_max3A_135 : vector<8x16xf32> to vector<8x1x16xf32>
    %iota3A = tpu.iota {dimensions = array<i32: 1>} : vector<8x2048x16xi32>
    %eq3A = vector.broadcast %broadcast_in_dim3A_136 : vector<8x1x16xf32> to vector<8x2048x16xf32>
    %eq3A_137 = arith.cmpf oeq, %reshape3A, %eq3A : vector<8x2048x16xf32>
    %jit3A = arith.constant 2048 : i32
    %broadcast_in_dim3A_138 = vector.broadcast %jit3A : i32 to vector<8x2048x16xi32>
    %select_n3A = arith.select %eq3A_137, %iota3A, %broadcast_in_dim3A_138 : vector<8x2048x16xi1>, vector<8x2048x16xi32>
    %reduce_min3A = arith.constant dense<2147483647> : vector<8x16xi32>
    %reduce_min3A_139 = vector.multi_reduction <minsi>, %select_n3A, %reduce_min3A [1] : vector<8x2048x16xi32> to vector<8x16xi32>
    %swap3A = arith.constant 0 : index
    %swap3A_140 = arith.constant 0 : index
    %swap3A_141 = vector.load %arg13[%swap3A, %swap3A_140] : memref<8x16xi32, #tpu.memory_space<vmem>>, vector<8x16xi32>
    tpu.vector_store %arg13[%swap3A, %swap3A_140], %reduce_min3A_139 {strides = array<i32>} : memref<8x16xi32, #tpu.memory_space<vmem>>, vector<8x16xi32>,
    return
  }
}

module attributes {stable_mosaic.version = 14 : i64} {
  func.func @_attn_body(%arg0: i32, %arg1: memref<1x2048x256xf32, #tpu.memory_space<vmem>>, %arg2: memref<256x768xf32, #tpu.memory_space<vmem>>, %arg3: memref<1x768xf32, #tpu.memory_space<vmem>>, %arg4: memref<256x256xf32, #tpu.memory_space<vmem>>, %arg5: memref<1x256xf32, #tpu.memory_space<vmem>>, %arg6: memref<1x2048x256xf32, #tpu.memory_space<vmem>>) attributes {dimension_semantics = [#tpu.dimension_semantics<arbitrary>], iteration_bounds = array<i64: 8>, scalar_prefetch = 0 : i64, scratch_operands = 0 : i64, tpu.core_type = #tpu.core_type<tc>, window_params = [{transform_indices = @transform_0, window_bounds = array<i64: 1, 2048, 256>}, {pipeline_mode = #tpu.pipeline_mode<synchronous>, transform_indices = @transform_1, window_bounds = array<i64: 256, 768>}, {pipeline_mode = #tpu.pipeline_mode<synchronous>, transform_indices = @transform_2, window_bounds = array<i64: 1, 768>}, {pipeline_mode = #tpu.pipeline_mode<synchronous>, transform_indices = @transform_3, window_bounds = array<i64: 256, 256>}, {pipeline_mode = #tpu.pipeline_mode<synchronous>, transform_indices = @transform_4, window_bounds = array<i64: 1, 256>}, {transform_indices = @transform_5, window_bounds = array<i64: 1, 2048, 256>}]} {
    %get3A = arith.constant 0 : index
    %get3A_0 = arith.constant 0 : index
    %get3A_1 = arith.constant 0 : index
    %get3A_2 = vector.load %arg1[%get3A, %get3A_0, %get3A_1] : memref<1x2048x256xf32, #tpu.memory_space<vmem>>, vector<1x2048x256xf32>
    %get3A_3 = vector.shape_cast %get3A_2 : vector<1x2048x256xf32> to vector<2048x256xf32>
    %get3A_4 = arith.constant 0 : index
    %get3A_5 = arith.constant 0 : index
    %get3A_6 = vector.load %arg2[%get3A_4, %get3A_5] : memref<256x768xf32, #tpu.memory_space<vmem>>, vector<256x768xf32>
    %convert_element_type3A = arith.truncf %get3A_3 : vector<2048x256xf32> to vector<2048x256xbf16>
    %convert_element_type3A_7 = arith.truncf %get3A_6 : vector<256x768xf32> to vector<256x768xbf16>
    %dot_general3A = arith.constant dense<0.000000e+00> : vector<2048x768xf32>
    %dot_general3A_8 = tpu.matmul %convert_element_type3A, %convert_element_type3A_7, %dot_general3A {dimension_numbers = #tpu.dot_dimension_numbers<[1], [0], [0], [1], [0, 0, 1, 1], [], []>, transpose_lhs_hint = false} : vector<2048x256xbf16>, vector<256x768xbf16>, vector<2048x768xf32> -> vector<2048x768xf32>
    %get3A_9 = arith.constant 0 : index
    %get3A_10 = arith.constant 0 : index
    %get3A_11 = vector.load %arg3[%get3A_9, %get3A_10] : memref<1x768xf32, #tpu.memory_space<vmem>>, vector<1x768xf32>
    %add3A = vector.broadcast %get3A_11 : vector<1x768xf32> to vector<2048x768xf32>
    %add3A_12 = arith.addf %dot_general3A_8, %add3A : vector<2048x768xf32>
    %slice3A = vector.extract_strided_slice %add3A_12 {offsets = [0, 0], sizes = [2048, 64], strides = [1, 1]} : vector<2048x768xf32> to vector<2048x64xf32>
    %slice3A_13 = vector.extract_strided_slice %add3A_12 {offsets = [0, 256], sizes = [2048, 64], strides = [1, 1]} : vector<2048x768xf32> to vector<2048x64xf32>
    %slice3A_14 = vector.extract_strided_slice %add3A_12 {offsets = [0, 512], sizes = [2048, 64], strides = [1, 1]} : vector<2048x768xf32> to vector<2048x64xf32>
    %convert_element_type3A_15 = arith.truncf %slice3A : vector<2048x64xf32> to vector<2048x64xbf16>
    %convert_element_type3A_16 = arith.truncf %slice3A_13 : vector<2048x64xf32> to vector<2048x64xbf16>
    %dot_general3A_17 = arith.constant dense<0.000000e+00> : vector<2048x2048xf32>
    %dot_general3A_18 = tpu.matmul %convert_element_type3A_15, %convert_element_type3A_16, %dot_general3A_17 {dimension_numbers = #tpu.dot_dimension_numbers<[1], [1], [0], [0], [0, 0, 1, 0], [], []>, transpose_lhs_hint = false} : vector<2048x64xbf16>, vector<2048x64xbf16>, vector<2048x2048xf32> -> vector<2048x2048xf32>
    %mul3A = arith.constant 1.250000e-01 : f32
    %mul3A_19 = vector.broadcast %mul3A : f32 to vector<2048x2048xf32>
    %mul3A_20 = arith.mulf %dot_general3A_18, %mul3A_19 : vector<2048x2048xf32>
    %exp3A = math.exp %mul3A_20 : vector<2048x2048xf32>
    %reduce_sum3A = arith.constant dense<0.000000e+00> : vector<2048xf32>
    %reduce_sum3A_21 = vector.multi_reduction <add>, %exp3A, %reduce_sum3A [1] : vector<2048x2048xf32> to vector<2048xf32>
    %broadcast_in_dim3A = vector.shape_cast %reduce_sum3A_21 : vector<2048xf32> to vector<2048x1xf32>
    %convert_element_type3A_22 = arith.truncf %exp3A : vector<2048x2048xf32> to vector<2048x2048xbf16>
    %convert_element_type3A_23 = arith.truncf %slice3A_14 : vector<2048x64xf32> to vector<2048x64xbf16>
    %dot_general3A_24 = arith.constant dense<0.000000e+00> : vector<2048x64xf32>
    %dot_general3A_25 = tpu.matmul %convert_element_type3A_22, %convert_element_type3A_23, %dot_general3A_24 {dimension_numbers = #tpu.dot_dimension_numbers<[1], [0], [0], [1], [0, 0, 1, 1], [], []>, transpose_lhs_hint = false} : vector<2048x2048xbf16>, vector<2048x64xbf16>, vector<2048x64xf32> -> vector<2048x64xf32>
    %div3A = vector.broadcast %broadcast_in_dim3A : vector<2048x1xf32> to vector<2048x64xf32>
    %div3A_26 = arith.divf %dot_general3A_25, %div3A : vector<2048x64xf32>
    %slice3A_27 = vector.extract_strided_slice %add3A_12 {offsets = [0, 64], sizes = [2048, 64], strides = [1, 1]} : vector<2048x768xf32> to vector<2048x64xf32>
    %slice3A_28 = vector.extract_strided_slice %add3A_12 {offsets = [0, 320], sizes = [2048, 64], strides = [1, 1]} : vector<2048x768xf32> to vector<2048x64xf32>
    %slice3A_29 = vector.extract_strided_slice %add3A_12 {offsets = [0, 576], sizes = [2048, 64], strides = [1, 1]} : vector<2048x768xf32> to vector<2048x64xf32>
    %convert_element_type3A_30 = arith.truncf %slice3A_27 : vector<2048x64xf32> to vector<2048x64xbf16>
    %convert_element_type3A_31 = arith.truncf %slice3A_28 : vector<2048x64xf32> to vector<2048x64xbf16>
    %dot_general3A_32 = arith.constant dense<0.000000e+00> : vector<2048x2048xf32>
    %dot_general3A_33 = tpu.matmul %convert_element_type3A_30, %convert_element_type3A_31, %dot_general3A_32 {dimension_numbers = #tpu.dot_dimension_numbers<[1], [1], [0], [0], [0, 0, 1, 0], [], []>, transpose_lhs_hint = false} : vector<2048x64xbf16>, vector<2048x64xbf16>, vector<2048x2048xf32> -> vector<2048x2048xf32>
    %mul3A_34 = arith.constant 1.250000e-01 : f32
    %mul3A_35 = vector.broadcast %mul3A_34 : f32 to vector<2048x2048xf32>
    %mul3A_36 = arith.mulf %dot_general3A_33, %mul3A_35 : vector<2048x2048xf32>
    %exp3A_37 = math.exp %mul3A_36 : vector<2048x2048xf32>
    %reduce_sum3A_38 = arith.constant dense<0.000000e+00> : vector<2048xf32>
    %reduce_sum3A_39 = vector.multi_reduction <add>, %exp3A_37, %reduce_sum3A_38 [1] : vector<2048x2048xf32> to vector<2048xf32>
    %broadcast_in_dim3A_40 = vector.shape_cast %reduce_sum3A_39 : vector<2048xf32> to vector<2048x1xf32>
    %convert_element_type3A_41 = arith.truncf %exp3A_37 : vector<2048x2048xf32> to vector<2048x2048xbf16>
    %convert_element_type3A_42 = arith.truncf %slice3A_29 : vector<2048x64xf32> to vector<2048x64xbf16>
    %dot_general3A_43 = arith.constant dense<0.000000e+00> : vector<2048x64xf32>
    %dot_general3A_44 = tpu.matmul %convert_element_type3A_41, %convert_element_type3A_42, %dot_general3A_43 {dimension_numbers = #tpu.dot_dimension_numbers<[1], [0], [0], [1], [0, 0, 1, 1], [], []>, transpose_lhs_hint = false} : vector<2048x2048xbf16>, vector<2048x64xbf16>, vector<2048x64xf32> -> vector<2048x64xf32>
    %div3A_45 = vector.broadcast %broadcast_in_dim3A_40 : vector<2048x1xf32> to vector<2048x64xf32>
    %div3A_46 = arith.divf %dot_general3A_44, %div3A_45 : vector<2048x64xf32>
    %slice3A_47 = vector.extract_strided_slice %add3A_12 {offsets = [0, 128], sizes = [2048, 64], strides = [1, 1]} : vector<2048x768xf32> to vector<2048x64xf32>
    %slice3A_48 = vector.extract_strided_slice %add3A_12 {offsets = [0, 384], sizes = [2048, 64], strides = [1, 1]} : vector<2048x768xf32> to vector<2048x64xf32>
    %slice3A_49 = vector.extract_strided_slice %add3A_12 {offsets = [0, 640], sizes = [2048, 64], strides = [1, 1]} : vector<2048x768xf32> to vector<2048x64xf32>
    %convert_element_type3A_50 = arith.truncf %slice3A_47 : vector<2048x64xf32> to vector<2048x64xbf16>
    %convert_element_type3A_51 = arith.truncf %slice3A_48 : vector<2048x64xf32> to vector<2048x64xbf16>
    %dot_general3A_52 = arith.constant dense<0.000000e+00> : vector<2048x2048xf32>
    %dot_general3A_53 = tpu.matmul %convert_element_type3A_50, %convert_element_type3A_51, %dot_general3A_52 {dimension_numbers = #tpu.dot_dimension_numbers<[1], [1], [0], [0], [0, 0, 1, 0], [], []>, transpose_lhs_hint = false} : vector<2048x64xbf16>, vector<2048x64xbf16>, vector<2048x2048xf32> -> vector<2048x2048xf32>
    %mul3A_54 = arith.constant 1.250000e-01 : f32
    %mul3A_55 = vector.broadcast %mul3A_54 : f32 to vector<2048x2048xf32>
    %mul3A_56 = arith.mulf %dot_general3A_53, %mul3A_55 : vector<2048x2048xf32>
    %exp3A_57 = math.exp %mul3A_56 : vector<2048x2048xf32>
    %reduce_sum3A_58 = arith.constant dense<0.000000e+00> : vector<2048xf32>
    %reduce_sum3A_59 = vector.multi_reduction <add>, %exp3A_57, %reduce_sum3A_58 [1] : vector<2048x2048xf32> to vector<2048xf32>
    %broadcast_in_dim3A_60 = vector.shape_cast %reduce_sum3A_59 : vector<2048xf32> to vector<2048x1xf32>
    %convert_element_type3A_61 = arith.truncf %exp3A_57 : vector<2048x2048xf32> to vector<2048x2048xbf16>
    %convert_element_type3A_62 = arith.truncf %slice3A_49 : vector<2048x64xf32> to vector<2048x64xbf16>
    %dot_general3A_63 = arith.constant dense<0.000000e+00> : vector<2048x64xf32>
    %dot_general3A_64 = tpu.matmul %convert_element_type3A_61, %convert_element_type3A_62, %dot_general3A_63 {dimension_numbers = #tpu.dot_dimension_numbers<[1], [0], [0], [1], [0, 0, 1, 1], [], []>, transpose_lhs_hint = false} : vector<2048x2048xbf16>, vector<2048x64xbf16>, vector<2048x64xf32> -> vector<2048x64xf32>
    %div3A_65 = vector.broadcast %broadcast_in_dim3A_60 : vector<2048x1xf32> to vector<2048x64xf32>
    %div3A_66 = arith.divf %dot_general3A_64, %div3A_65 : vector<2048x64xf32>
    %slice3A_67 = vector.extract_strided_slice %add3A_12 {offsets = [0, 192], sizes = [2048, 64], strides = [1, 1]} : vector<2048x768xf32> to vector<2048x64xf32>
    %slice3A_68 = vector.extract_strided_slice %add3A_12 {offsets = [0, 448], sizes = [2048, 64], strides = [1, 1]} : vector<2048x768xf32> to vector<2048x64xf32>
    %slice3A_69 = vector.extract_strided_slice %add3A_12 {offsets = [0, 704], sizes = [2048, 64], strides = [1, 1]} : vector<2048x768xf32> to vector<2048x64xf32>
    %convert_element_type3A_70 = arith.truncf %slice3A_67 : vector<2048x64xf32> to vector<2048x64xbf16>
    %convert_element_type3A_71 = arith.truncf %slice3A_68 : vector<2048x64xf32> to vector<2048x64xbf16>
    %dot_general3A_72 = arith.constant dense<0.000000e+00> : vector<2048x2048xf32>
    %dot_general3A_73 = tpu.matmul %convert_element_type3A_70, %convert_element_type3A_71, %dot_general3A_72 {dimension_numbers = #tpu.dot_dimension_numbers<[1], [1], [0], [0], [0, 0, 1, 0], [], []>, transpose_lhs_hint = false} : vector<2048x64xbf16>, vector<2048x64xbf16>, vector<2048x2048xf32> -> vector<2048x2048xf32>
    %mul3A_74 = arith.constant 1.250000e-01 : f32
    %mul3A_75 = vector.broadcast %mul3A_74 : f32 to vector<2048x2048xf32>
    %mul3A_76 = arith.mulf %dot_general3A_73, %mul3A_75 : vector<2048x2048xf32>
    %exp3A_77 = math.exp %mul3A_76 : vector<2048x2048xf32>
    %reduce_sum3A_78 = arith.constant dense<0.000000e+00> : vector<2048xf32>
    %reduce_sum3A_79 = vector.multi_reduction <add>, %exp3A_77, %reduce_sum3A_78 [1] : vector<2048x2048xf32> to vector<2048xf32>
    %broadcast_in_dim3A_80 = vector.shape_cast %reduce_sum3A_79 : vector<2048xf32> to vector<2048x1xf32>
    %convert_element_type3A_81 = arith.truncf %exp3A_77 : vector<2048x2048xf32> to vector<2048x2048xbf16>
    %convert_element_type3A_82 = arith.truncf %slice3A_69 : vector<2048x64xf32> to vector<2048x64xbf16>
    %dot_general3A_83 = arith.constant dense<0.000000e+00> : vector<2048x64xf32>
    %dot_general3A_84 = tpu.matmul %convert_element_type3A_81, %convert_element_type3A_82, %dot_general3A_83 {dimension_numbers = #tpu.dot_dimension_numbers<[1], [0], [0], [1], [0, 0, 1, 1], [], []>, transpose_lhs_hint = false} : vector<2048x2048xbf16>, vector<2048x64xbf16>, vector<2048x64xf32> -> vector<2048x64xf32>
    %div3A_85 = vector.broadcast %broadcast_in_dim3A_80 : vector<2048x1xf32> to vector<2048x64xf32>
    %div3A_86 = arith.divf %dot_general3A_84, %div3A_85 : vector<2048x64xf32>
    %concatenate3A = tpu.concatenate %div3A_26, %div3A_46, %div3A_66, %div3A_86 in 1 : vector<2048x64xf32>, vector<2048x64xf32>, vector<2048x64xf32>, vector<2048x64xf32> -> vector<2048x256xf32>
    %get3A_87 = arith.constant 0 : index
    %get3A_88 = arith.constant 0 : index
    %get3A_89 = vector.load %arg4[%get3A_87, %get3A_88] : memref<256x256xf32, #tpu.memory_space<vmem>>, vector<256x256xf32>
    %convert_element_type3A_90 = arith.truncf %concatenate3A : vector<2048x256xf32> to vector<2048x256xbf16>
    %convert_element_type3A_91 = arith.truncf %get3A_89 : vector<256x256xf32> to vector<256x256xbf16>
    %dot_general3A_92 = arith.constant dense<0.000000e+00> : vector<2048x256xf32>
    %dot_general3A_93 = tpu.matmul %convert_element_type3A_90, %convert_element_type3A_91, %dot_general3A_92 {dimension_numbers = #tpu.dot_dimension_numbers<[1], [0], [0], [1], [0, 0, 1, 1], [], []>, transpose_lhs_hint = false} : vector<2048x256xbf16>, vector<256x256xbf16>, vector<2048x256xf32> -> vector<2048x256xf32>
    %add3A_94 = arith.addf %get3A_3, %dot_general3A_93 : vector<2048x256xf32>
    %get3A_95 = arith.constant 0 : index
    %get3A_96 = arith.constant 0 : index
    %get3A_97 = vector.load %arg5[%get3A_95, %get3A_96] : memref<1x256xf32, #tpu.memory_space<vmem>>, vector<1x256xf32>
    %add3A_98 = vector.broadcast %get3A_97 : vector<1x256xf32> to vector<2048x256xf32>
    %add3A_99 = arith.addf %add3A_94, %add3A_98 : vector<2048x256xf32>
    %swap3A = arith.constant 0 : index
    %swap3A_100 = arith.constant 0 : index
    %swap3A_101 = arith.constant 0 : index
    %swap3A_102 = vector.load %arg6[%swap3A, %swap3A_100, %swap3A_101] : memref<1x2048x256xf32, #tpu.memory_space<vmem>>, vector<1x2048x256xf32>
    %swap3A_103 = vector.shape_cast %swap3A_102 : vector<1x2048x256xf32> to vector<2048x256xf32>
    %swap3A_104 = vector.shape_cast %add3A_99 : vector<2048x256xf32> to vector<1x2048x256xf32>
    tpu.vector_store %arg6[%swap3A, %swap3A_100, %swap3A_101], %swap3A_104 {strides = array<i32>} : memref<1x2048x256xf32, #tpu.memory_space<vmem>>, vector<1x2048x256xf32>,
    return
  }
  func.func @transform_0(%arg0: i32) -> (i32, i32, i32) {
    %c0_i32 = arith.constant 0 : i32
    %c0_i32_0 = arith.constant 0 : i32
    %c0_i32_1 = arith.constant 0 : i32
    return %arg0, %c0_i32, %c0_i32_0 : i32, i32, i32
  }
  func.func @transform_1(%arg0: i32) -> (i32, i32) {
    %c0_i32 = arith.constant 0 : i32
    %c0_i32_0 = arith.constant 0 : i32
    %c0_i32_1 = arith.constant 0 : i32
    return %c0_i32, %c0_i32_0 : i32, i32
  }
  func.func @transform_2(%arg0: i32) -> (i32, i32) {
    %c0_i32 = arith.constant 0 : i32
    %c0_i32_0 = arith.constant 0 : i32
    %c0_i32_1 = arith.constant 0 : i32
    return %c0_i32, %c0_i32_0 : i32, i32
  }
  func.func @transform_3(%arg0: i32) -> (i32, i32) {
    %c0_i32 = arith.constant 0 : i32
    %c0_i32_0 = arith.constant 0 : i32
    %c0_i32_1 = arith.constant 0 : i32
    return %c0_i32, %c0_i32_0 : i32, i32
  }
  func.func @transform_4(%arg0: i32) -> (i32, i32) {
    %c0_i32 = arith.constant 0 : i32
    %c0_i32_0 = arith.constant 0 : i32
    %c0_i32_1 = arith.constant 0 : i32
    return %c0_i32, %c0_i32_0 : i32, i32
  }
  func.func @transform_5(%arg0: i32) -> (i32, i32, i32) {
    %c0_i32 = arith.constant 0 : i32
    %c0_i32_0 = arith.constant 0 : i32
    %c0_i32_1 = arith.constant 0 : i32
    return %arg0, %c0_i32, %c0_i32_0 : i32, i32, i32
  }
}

module attributes {stable_mosaic.version = 14 : i64} {
  func.func @_conv_body(%arg0: memref<6144x3xf32, #tpu.memory_space<vmem>>, %arg1: memref<3x64xf32, #tpu.memory_space<vmem>>, %arg2: memref<1x64xf32, #tpu.memory_space<vmem>>, %arg3: memref<1x64xf32, #tpu.memory_space<vmem>>, %arg4: memref<64x256xf32, #tpu.memory_space<vmem>>, %arg5: memref<1x256xf32, #tpu.memory_space<vmem>>, %arg6: memref<1x256xf32, #tpu.memory_space<vmem>>, %arg7: memref<256x512xf32, #tpu.memory_space<vmem>>, %arg8: memref<1x512xf32, #tpu.memory_space<vmem>>, %arg9: memref<1x512xf32, #tpu.memory_space<vmem>>, %arg10: memref<128x512xf32, #tpu.memory_space<vmem>>) attributes {dimension_semantics = [], scalar_prefetch = 0 : i64, scratch_operands = 0 : i64, tpu.core_type = #tpu.core_type<tc>} {
    %iota3A = tpu.iota {dimensions = array<i32: 0>} : vector<6144x1xi32>
    %jit3A = arith.constant 48 : i32
    %eq3A = arith.constant 0 : i32
    %eq3A_0 = arith.cmpi eq, %jit3A, %eq3A : i32
    %jit3A_1 = arith.constant 1 : i32
    %select_n3A = arith.select %eq3A_0, %jit3A_1, %jit3A : i32
    %rem3A = vector.broadcast %select_n3A : i32 to vector<6144x1xi32>
    %rem3A_2 = arith.remsi %iota3A, %rem3A : vector<6144x1xi32>
    %ne3A = arith.constant 0 : i32
    %ne3A_3 = vector.broadcast %ne3A : i32 to vector<6144x1xi32>
    %ne3A_4 = arith.cmpi ne, %rem3A_2, %ne3A_3 : vector<6144x1xi32>
    %lt3A = arith.constant 0 : i32
    %lt3A_5 = vector.broadcast %lt3A : i32 to vector<6144x1xi32>
    %lt3A_6 = arith.cmpi slt, %rem3A_2, %lt3A_5 : vector<6144x1xi32>
    %lt3A_7 = arith.constant 0 : i32
    %lt3A_8 = arith.cmpi slt, %select_n3A, %lt3A_7 : i32
    %ne3A_9 = vector.broadcast %lt3A_8 : i1 to vector<6144x1xi1>
    %ne3A_10 = vector.broadcast %ne3A_9 : vector<6144x1xi1> to vector<6144x1xi1>
    %ne3A_11 = arith.xori %lt3A_6, %ne3A_10 : vector<6144x1xi1>
    %and3A = arith.andi %ne3A_11, %ne3A_4 : vector<6144x1xi1>
    %add3A = vector.broadcast %select_n3A : i32 to vector<6144x1xi32>
    %add3A_12 = arith.addi %rem3A_2, %add3A : vector<6144x1xi32>
    %select_n3A_13 = arith.select %and3A, %add3A_12, %rem3A_2 : vector<6144x1xi1>, vector<6144x1xi32>
    %lt3A_14 = arith.constant 33 : i32
    %lt3A_15 = vector.broadcast %lt3A_14 : i32 to vector<6144x1xi32>
    %lt3A_16 = arith.cmpi slt, %select_n3A_13, %lt3A_15 : vector<6144x1xi32>
    %convert_element_type3A = arith.extui %lt3A_16 : vector<6144x1xi1> to vector<6144x1xi32>
    %convert_element_type3A_17 = arith.sitofp %convert_element_type3A : vector<6144x1xi32> to vector<6144x1xf32>
    %iota3A_18 = tpu.iota {dimensions = array<i32: 1>} : vector<128x48x512xi32>
    %lt3A_19 = arith.constant 33 : i32
    %lt3A_20 = vector.broadcast %lt3A_19 : i32 to vector<128x48x512xi32>
    %lt3A_21 = arith.cmpi slt, %iota3A_18, %lt3A_20 : vector<128x48x512xi32>
    %get3A = arith.constant 0 : index
    %get3A_22 = arith.constant 0 : index
    %get3A_23 = vector.load %arg0[%get3A, %get3A_22] : memref<6144x3xf32, #tpu.memory_space<vmem>>, vector<6144x3xf32>
    %get3A_24 = arith.constant 0 : index
    %get3A_25 = arith.constant 0 : index
    %get3A_26 = vector.load %arg1[%get3A_24, %get3A_25] : memref<3x64xf32, #tpu.memory_space<vmem>>, vector<3x64xf32>
    %convert_element_type3A_27 = arith.truncf %get3A_23 : vector<6144x3xf32> to vector<6144x3xbf16>
    %convert_element_type3A_28 = arith.truncf %get3A_26 : vector<3x64xf32> to vector<3x64xbf16>
    %dot_general3A = arith.constant dense<0.000000e+00> : vector<6144x64xf32>
    %dot_general3A_29 = tpu.matmul %convert_element_type3A_27, %convert_element_type3A_28, %dot_general3A {dimension_numbers = #tpu.dot_dimension_numbers<[1], [0], [0], [1], [0, 0, 1, 1], [], []>, transpose_lhs_hint = false} : vector<6144x3xbf16>, vector<3x64xbf16>, vector<6144x64xf32> -> vector<6144x64xf32>
    %get3A_30 = arith.constant 0 : index
    %get3A_31 = arith.constant 0 : index
    %get3A_32 = vector.load %arg2[%get3A_30, %get3A_31] : memref<1x64xf32, #tpu.memory_space<vmem>>, vector<1x64xf32>
    %get3A_33 = arith.constant 0 : index
    %get3A_34 = arith.constant 0 : index
    %get3A_35 = vector.load %arg3[%get3A_33, %get3A_34] : memref<1x64xf32, #tpu.memory_space<vmem>>, vector<1x64xf32>
    %mul3A = vector.broadcast %convert_element_type3A_17 : vector<6144x1xf32> to vector<6144x64xf32>
    %mul3A_36 = arith.mulf %dot_general3A_29, %mul3A : vector<6144x64xf32>
    %reduce_sum3A = arith.constant dense<0.000000e+00> : vector<64xf32>
    %reduce_sum3A_37 = vector.multi_reduction <add>, %mul3A_36, %reduce_sum3A [0] : vector<6144x64xf32> to vector<64xf32>
    %broadcast_in_dim3A = vector.shape_cast %reduce_sum3A_37 : vector<64xf32> to vector<1x64xf32>
    %div3A = arith.constant 4.224000e+03 : f32
    %div3A_38 = vector.broadcast %div3A : f32 to vector<1x64xf32>
    %div3A_39 = arith.divf %broadcast_in_dim3A, %div3A_38 : vector<1x64xf32>
    %sub3A = vector.broadcast %div3A_39 : vector<1x64xf32> to vector<6144x64xf32>
    %sub3A_40 = arith.subf %dot_general3A_29, %sub3A : vector<6144x64xf32>
    %integer_pow3A = arith.mulf %sub3A_40, %sub3A_40 : vector<6144x64xf32>
    %mul3A_41 = vector.broadcast %convert_element_type3A_17 : vector<6144x1xf32> to vector<6144x64xf32>
    %mul3A_42 = arith.mulf %integer_pow3A, %mul3A_41 : vector<6144x64xf32>
    %reduce_sum3A_43 = arith.constant dense<0.000000e+00> : vector<64xf32>
    %reduce_sum3A_44 = vector.multi_reduction <add>, %mul3A_42, %reduce_sum3A_43 [0] : vector<6144x64xf32> to vector<64xf32>
    %broadcast_in_dim3A_45 = vector.shape_cast %reduce_sum3A_44 : vector<64xf32> to vector<1x64xf32>
    %div3A_46 = arith.constant 4.224000e+03 : f32
    %div3A_47 = vector.broadcast %div3A_46 : f32 to vector<1x64xf32>
    %div3A_48 = arith.divf %broadcast_in_dim3A_45, %div3A_47 : vector<1x64xf32>
    %sub3A_49 = vector.broadcast %div3A_39 : vector<1x64xf32> to vector<6144x64xf32>
    %sub3A_50 = arith.subf %dot_general3A_29, %sub3A_49 : vector<6144x64xf32>
    %add3A_51 = arith.constant 9.99999974E-6 : f32
    %add3A_52 = vector.broadcast %add3A_51 : f32 to vector<1x64xf32>
    %add3A_53 = arith.addf %div3A_48, %add3A_52 : vector<1x64xf32>
    %sqrt3A = math.sqrt %add3A_53 : vector<1x64xf32>
    %div3A_54 = vector.broadcast %sqrt3A : vector<1x64xf32> to vector<6144x64xf32>
    %div3A_55 = arith.divf %sub3A_50, %div3A_54 : vector<6144x64xf32>
    %mul3A_56 = vector.broadcast %get3A_32 : vector<1x64xf32> to vector<6144x64xf32>
    %mul3A_57 = arith.mulf %div3A_55, %mul3A_56 : vector<6144x64xf32>
    %add3A_58 = vector.broadcast %get3A_35 : vector<1x64xf32> to vector<6144x64xf32>
    %add3A_59 = arith.addf %mul3A_57, %add3A_58 : vector<6144x64xf32>
    %ge3A = arith.constant 0.000000e+00 : f32
    %ge3A_60 = vector.broadcast %ge3A : f32 to vector<6144x64xf32>
    %ge3A_61 = arith.cmpf oge, %add3A_59, %ge3A_60 : vector<6144x64xf32>
    %mul3A_62 = arith.constant 2.000000e-01 : f32
    %mul3A_63 = vector.broadcast %mul3A_62 : f32 to vector<6144x64xf32>
    %mul3A_64 = arith.mulf %mul3A_63, %add3A_59 : vector<6144x64xf32>
    %select_n3A_65 = arith.select %ge3A_61, %add3A_59, %mul3A_64 : vector<6144x64xi1>, vector<6144x64xf32>
    %get3A_66 = arith.constant 0 : index
    %get3A_67 = arith.constant 0 : index
    %get3A_68 = vector.load %arg4[%get3A_66, %get3A_67] : memref<64x256xf32, #tpu.memory_space<vmem>>, vector<64x256xf32>
    %convert_element_type3A_69 = arith.truncf %select_n3A_65 : vector<6144x64xf32> to vector<6144x64xbf16>
    %convert_element_type3A_70 = arith.truncf %get3A_68 : vector<64x256xf32> to vector<64x256xbf16>
    %dot_general3A_71 = arith.constant dense<0.000000e+00> : vector<6144x256xf32>
    %dot_general3A_72 = tpu.matmul %convert_element_type3A_69, %convert_element_type3A_70, %dot_general3A_71 {dimension_numbers = #tpu.dot_dimension_numbers<[1], [0], [0], [1], [0, 0, 1, 1], [], []>, transpose_lhs_hint = false} : vector<6144x64xbf16>, vector<64x256xbf16>, vector<6144x256xf32> -> vector<6144x256xf32>
    %get3A_73 = arith.constant 0 : index
    %get3A_74 = arith.constant 0 : index
    %get3A_75 = vector.load %arg5[%get3A_73, %get3A_74] : memref<1x256xf32, #tpu.memory_space<vmem>>, vector<1x256xf32>
    %get3A_76 = arith.constant 0 : index
    %get3A_77 = arith.constant 0 : index
    %get3A_78 = vector.load %arg6[%get3A_76, %get3A_77] : memref<1x256xf32, #tpu.memory_space<vmem>>, vector<1x256xf32>
    %mul3A_79 = vector.broadcast %convert_element_type3A_17 : vector<6144x1xf32> to vector<6144x256xf32>
    %mul3A_80 = arith.mulf %dot_general3A_72, %mul3A_79 : vector<6144x256xf32>
    %reduce_sum3A_81 = arith.constant dense<0.000000e+00> : vector<256xf32>
    %reduce_sum3A_82 = vector.multi_reduction <add>, %mul3A_80, %reduce_sum3A_81 [0] : vector<6144x256xf32> to vector<256xf32>
    %broadcast_in_dim3A_83 = vector.shape_cast %reduce_sum3A_82 : vector<256xf32> to vector<1x256xf32>
    %div3A_84 = arith.constant 4.224000e+03 : f32
    %div3A_85 = vector.broadcast %div3A_84 : f32 to vector<1x256xf32>
    %div3A_86 = arith.divf %broadcast_in_dim3A_83, %div3A_85 : vector<1x256xf32>
    %sub3A_87 = vector.broadcast %div3A_86 : vector<1x256xf32> to vector<6144x256xf32>
    %sub3A_88 = arith.subf %dot_general3A_72, %sub3A_87 : vector<6144x256xf32>
    %integer_pow3A_89 = arith.mulf %sub3A_88, %sub3A_88 : vector<6144x256xf32>
    %mul3A_90 = vector.broadcast %convert_element_type3A_17 : vector<6144x1xf32> to vector<6144x256xf32>
    %mul3A_91 = arith.mulf %integer_pow3A_89, %mul3A_90 : vector<6144x256xf32>
    %reduce_sum3A_92 = arith.constant dense<0.000000e+00> : vector<256xf32>
    %reduce_sum3A_93 = vector.multi_reduction <add>, %mul3A_91, %reduce_sum3A_92 [0] : vector<6144x256xf32> to vector<256xf32>
    %broadcast_in_dim3A_94 = vector.shape_cast %reduce_sum3A_93 : vector<256xf32> to vector<1x256xf32>
    %div3A_95 = arith.constant 4.224000e+03 : f32
    %div3A_96 = vector.broadcast %div3A_95 : f32 to vector<1x256xf32>
    %div3A_97 = arith.divf %broadcast_in_dim3A_94, %div3A_96 : vector<1x256xf32>
    %sub3A_98 = vector.broadcast %div3A_86 : vector<1x256xf32> to vector<6144x256xf32>
    %sub3A_99 = arith.subf %dot_general3A_72, %sub3A_98 : vector<6144x256xf32>
    %add3A_100 = arith.constant 9.99999974E-6 : f32
    %add3A_101 = vector.broadcast %add3A_100 : f32 to vector<1x256xf32>
    %add3A_102 = arith.addf %div3A_97, %add3A_101 : vector<1x256xf32>
    %sqrt3A_103 = math.sqrt %add3A_102 : vector<1x256xf32>
    %div3A_104 = vector.broadcast %sqrt3A_103 : vector<1x256xf32> to vector<6144x256xf32>
    %div3A_105 = arith.divf %sub3A_99, %div3A_104 : vector<6144x256xf32>
    %mul3A_106 = vector.broadcast %get3A_75 : vector<1x256xf32> to vector<6144x256xf32>
    %mul3A_107 = arith.mulf %div3A_105, %mul3A_106 : vector<6144x256xf32>
    %add3A_108 = vector.broadcast %get3A_78 : vector<1x256xf32> to vector<6144x256xf32>
    %add3A_109 = arith.addf %mul3A_107, %add3A_108 : vector<6144x256xf32>
    %ge3A_110 = arith.constant 0.000000e+00 : f32
    %ge3A_111 = vector.broadcast %ge3A_110 : f32 to vector<6144x256xf32>
    %ge3A_112 = arith.cmpf oge, %add3A_109, %ge3A_111 : vector<6144x256xf32>
    %mul3A_113 = arith.constant 2.000000e-01 : f32
    %mul3A_114 = vector.broadcast %mul3A_113 : f32 to vector<6144x256xf32>
    %mul3A_115 = arith.mulf %mul3A_114, %add3A_109 : vector<6144x256xf32>
    %select_n3A_116 = arith.select %ge3A_112, %add3A_109, %mul3A_115 : vector<6144x256xi1>, vector<6144x256xf32>
    %get3A_117 = arith.constant 0 : index
    %get3A_118 = arith.constant 0 : index
    %get3A_119 = vector.load %arg7[%get3A_117, %get3A_118] : memref<256x512xf32, #tpu.memory_space<vmem>>, vector<256x512xf32>
    %convert_element_type3A_120 = arith.truncf %select_n3A_116 : vector<6144x256xf32> to vector<6144x256xbf16>
    %convert_element_type3A_121 = arith.truncf %get3A_119 : vector<256x512xf32> to vector<256x512xbf16>
    %dot_general3A_122 = arith.constant dense<0.000000e+00> : vector<6144x512xf32>
    %dot_general3A_123 = tpu.matmul %convert_element_type3A_120, %convert_element_type3A_121, %dot_general3A_122 {dimension_numbers = #tpu.dot_dimension_numbers<[1], [0], [0], [1], [0, 0, 1, 1], [], []>, transpose_lhs_hint = false} : vector<6144x256xbf16>, vector<256x512xbf16>, vector<6144x512xf32> -> vector<6144x512xf32>
    %get3A_124 = arith.constant 0 : index
    %get3A_125 = arith.constant 0 : index
    %get3A_126 = vector.load %arg8[%get3A_124, %get3A_125] : memref<1x512xf32, #tpu.memory_space<vmem>>, vector<1x512xf32>
    %get3A_127 = arith.constant 0 : index
    %get3A_128 = arith.constant 0 : index
    %get3A_129 = vector.load %arg9[%get3A_127, %get3A_128] : memref<1x512xf32, #tpu.memory_space<vmem>>, vector<1x512xf32>
    %mul3A_130 = vector.broadcast %convert_element_type3A_17 : vector<6144x1xf32> to vector<6144x512xf32>
    %mul3A_131 = arith.mulf %dot_general3A_123, %mul3A_130 : vector<6144x512xf32>
    %reduce_sum3A_132 = arith.constant dense<0.000000e+00> : vector<512xf32>
    %reduce_sum3A_133 = vector.multi_reduction <add>, %mul3A_131, %reduce_sum3A_132 [0] : vector<6144x512xf32> to vector<512xf32>
    %broadcast_in_dim3A_134 = vector.shape_cast %reduce_sum3A_133 : vector<512xf32> to vector<1x512xf32>
    %div3A_135 = arith.constant 4.224000e+03 : f32
    %div3A_136 = vector.broadcast %div3A_135 : f32 to vector<1x512xf32>
    %div3A_137 = arith.divf %broadcast_in_dim3A_134, %div3A_136 : vector<1x512xf32>
    %sub3A_138 = vector.broadcast %div3A_137 : vector<1x512xf32> to vector<6144x512xf32>
    %sub3A_139 = arith.subf %dot_general3A_123, %sub3A_138 : vector<6144x512xf32>
    %integer_pow3A_140 = arith.mulf %sub3A_139, %sub3A_139 : vector<6144x512xf32>
    %mul3A_141 = vector.broadcast %convert_element_type3A_17 : vector<6144x1xf32> to vector<6144x512xf32>
    %mul3A_142 = arith.mulf %integer_pow3A_140, %mul3A_141 : vector<6144x512xf32>
    %reduce_sum3A_143 = arith.constant dense<0.000000e+00> : vector<512xf32>
    %reduce_sum3A_144 = vector.multi_reduction <add>, %mul3A_142, %reduce_sum3A_143 [0] : vector<6144x512xf32> to vector<512xf32>
    %broadcast_in_dim3A_145 = vector.shape_cast %reduce_sum3A_144 : vector<512xf32> to vector<1x512xf32>
    %div3A_146 = arith.constant 4.224000e+03 : f32
    %div3A_147 = vector.broadcast %div3A_146 : f32 to vector<1x512xf32>
    %div3A_148 = arith.divf %broadcast_in_dim3A_145, %div3A_147 : vector<1x512xf32>
    %sub3A_149 = vector.broadcast %div3A_137 : vector<1x512xf32> to vector<6144x512xf32>
    %sub3A_150 = arith.subf %dot_general3A_123, %sub3A_149 : vector<6144x512xf32>
    %add3A_151 = arith.constant 9.99999974E-6 : f32
    %add3A_152 = vector.broadcast %add3A_151 : f32 to vector<1x512xf32>
    %add3A_153 = arith.addf %div3A_148, %add3A_152 : vector<1x512xf32>
    %sqrt3A_154 = math.sqrt %add3A_153 : vector<1x512xf32>
    %div3A_155 = vector.broadcast %sqrt3A_154 : vector<1x512xf32> to vector<6144x512xf32>
    %div3A_156 = arith.divf %sub3A_150, %div3A_155 : vector<6144x512xf32>
    %mul3A_157 = vector.broadcast %get3A_126 : vector<1x512xf32> to vector<6144x512xf32>
    %mul3A_158 = arith.mulf %div3A_156, %mul3A_157 : vector<6144x512xf32>
    %add3A_159 = vector.broadcast %get3A_129 : vector<1x512xf32> to vector<6144x512xf32>
    %add3A_160 = arith.addf %mul3A_158, %add3A_159 : vector<6144x512xf32>
    %ge3A_161 = arith.constant 0.000000e+00 : f32
    %ge3A_162 = vector.broadcast %ge3A_161 : f32 to vector<6144x512xf32>
    %ge3A_163 = arith.cmpf oge, %add3A_160, %ge3A_162 : vector<6144x512xf32>
    %mul3A_164 = arith.constant 2.000000e-01 : f32
    %mul3A_165 = vector.broadcast %mul3A_164 : f32 to vector<6144x512xf32>
    %mul3A_166 = arith.mulf %mul3A_165, %add3A_160 : vector<6144x512xf32>
    %select_n3A_167 = arith.select %ge3A_163, %add3A_160, %mul3A_166 : vector<6144x512xi1>, vector<6144x512xf32>
    %reshape3A = vector.shape_cast %select_n3A_167 : vector<6144x512xf32> to vector<128x48x512xf32>
    %jit3A_168 = arith.constant 0xFF800000 : f32
    %broadcast_in_dim3A_169 = vector.broadcast %jit3A_168 : f32 to vector<128x48x512xf32>
    %select_n3A_170 = arith.select %lt3A_21, %reshape3A, %broadcast_in_dim3A_169 : vector<128x48x512xi1>, vector<128x48x512xf32>
    %reduce_max3A = arith.constant dense<0xFF800000> : vector<128x512xf32>
    %reduce_max3A_171 = vector.multi_reduction <maximumf>, %select_n3A_170, %reduce_max3A [1] : vector<128x48x512xf32> to vector<128x512xf32>
    %swap3A = arith.constant 0 : index
    %swap3A_172 = arith.constant 0 : index
    %swap3A_173 = vector.load %arg10[%swap3A, %swap3A_172] : memref<128x512xf32, #tpu.memory_space<vmem>>, vector<128x512xf32>
    tpu.vector_store %arg10[%swap3A, %swap3A_172], %reduce_max3A_171 {strides = array<i32>} : memref<128x512xf32, #tpu.memory_space<vmem>>, vector<128x512xf32>,
    return
  }
}

</mosaic_0001>

<sc_bundles>
// kernel: kernel.7.cloned.1.call-start
scs
__scs_entry_jumppad:
0x0: {  	(pc) =	sbr.rel $0x88, $3  }
0x1: {  	(tag) =	ssettag $0x0;
	lr =	simm.s32 $0x1  }
0x2: {  	[smem:$0x3F7A] =	sst lr;
	_ =	strace $0xD0000000  }
0x3: {  	_ = 	snop  }
0x4: {  	_ = 	snop  }
0x5: {  	_ = 	snop  }
0x6: {  	_ = 	snop  }
0x7: {  	_ = 	snop  }
__scs_overlays_trampoline_lowered:
0x8: {  	[smem:$0x3F89] =	sst s0  }
0x9: {  	[smem:$0x3F8A] =	sst s1  }
0xa: {  	[smem:$0x3F8B] =	sst s2  }
0xb: {  	[smem:$0x3F8C] =	sst s3  }
0xc: {  	[smem:$0x3F8D] =	sst s4  }
0xd: {  	[smem:$0x3F8E] =	sst s5  }
0xe: {  	[smem:$0x3F8F] =	sst s6  }
0xf: {  	[smem:$0x3F90] =	sst s7  }
0x10: {  	[smem:$0x3F91] =	sst s8  }
0x11: {  	[smem:$0x3F92] =	sst s9;
	s0 =	simm.s32 @!p0 $0x0  }
0x12: {  	s1 =	sld [smem:$0x3F78];
	s0 =	simm.s32 @p0 $0x1  }
0x13: {  	[smem:$0x3F93] =	sst s0;
	s0 =	simm.s32 @!p1 $0x0  }
0x14: {  	s2 =	sld [smem:$0x3F77];
	s0 =	simm.s32 @p1 $0x1  }
0x15: {  	[smem:$0x3F94] =	sst s0;
	s0 =	simm.s32 @!p2 $0x0  }
0x16: {  	s3 =	sld [smem:$0x3FDB];
	s0 =	simm.s32 @p2 $0x1  }
0x17: {  	s4 =	simm.s32 $0x1BF5;
	[smem:$0x3F96] =	sst s0  }
0x18: {  	s0 =	sld [smem:$0x3F79];
	_ =	swait.ge [sflag:s4], $0x0  }
0x19: {  	s7 =	sld [smem:$0x3F7A]  }
0x1a: {  	s8 =	sadd.s32 $0xFFFFE003, lr  }
0x1b: {  	s9 =	sadd.s32 $0xFFFFFEF7, lr;
	s5 =	simm.s32 $0xFFFFFFFF;
	p2 =	slt.u32 s8, $0xFFFFF086  }
0x1c: {  	p1 =	slt.u32 s9, $0xF7A;
	s5 =	simm.s32 @!p2 $0x0  }
0x1d: {  	s5 =	simm.s32 @p1 $0x1;
	p0 =	seq.s32 s7, s2  }
0x1e: {  	s7 =	smul.u32 @!p0 $0xF7A, s2;
	p2 =	seq.s32 @!p0 s5, $0x0  }
0x1f: {  	s9 =	smul.u32 $0xF7A, s1;
	s8 =	simm.s32 @!p0 $0x1BF5;
	p2 =	por !p2, p0  }
0x20: {  	[sflag:s8] =	ssyncset.s32 @!p0 $0xFFFFF086;
	s6 =	sadd.s32 @!p0 s3, s7;
	s7 =	simm.s32 @!p0 $0x108  }
0x21: {  	s3 =	sadd.s32 s3, s9;
	s6 =	sadd.s32 @!p0 $0x88, s6;
	s7 =	simm.s32 @p2 $0x1082  }
0x22: {  	[simem:s7], [sflag:s8] =	dma.local @!p0 [hbm:s6], $0xF7A  }
0x23: {  	s9 =	sor.u32 $0xD0000000, s2;
	s6 =	simm.s32 $0x108;
	_ =	swait.ge @!p0 [sflag:s8], $0x0  }
0x24: {  	s3 =	sadd.s32 $0x88, s3;
	s6 =	simm.s32 @!p1 $0x1082;
	[sflag:s4] =	ssyncset.s32 $0xFFFFF086  }
0x25: {  	[simem:s6], [sflag:s4] =	dma.local [hbm:s3], $0xF7A  }
0x26: {  	[smem:$0x3F7A] =	sst s1;
	(tag) =	ssettag s2;
	_ =	strace s9  }
0x27: {  	s1 =	sld [smem:$0x3F8A]  }
0x28: {  	s2 =	sld [smem:$0x3F8B]  }
0x29: {  	s4 =	sld [smem:$0x3F8D]  }
0x2a: {  	p0 =	seq.s32 s5, $0x0;
	s5 =	sld [smem:$0x3F8E]  }
0x2b: {  	s6 =	sld [smem:$0x3F8F]  }
0x2c: {  	s7 =	sld [smem:$0x3F90]  }
0x2d: {  	s3 =	simm.s32 $0x108;
	s8 =	sld [smem:$0x3F91]  }
0x2e: {  	s3 =	simm.s32 @!p0 $0x1082;
	s9 =	sld [smem:$0x3F92]  }
0x2f: {  	lr =	sadd.s32 s0, s3;
	s0 =	sld [smem:$0x3F89]  }
0x30: {  	s3 =	sld [smem:$0x3F8C]  }
0x31: {  	[smem:$0x3F95] =	sst s10  }
0x32: {  	s10 =	sld [smem:$0x3F93];
	_ =	sdelay $0x3  }
0x33: {  	p0 =	seq.s32 s10, $0x1;
	s10 =	sld [smem:$0x3F95];
	_ =	sdelay $0x3  }
0x34: {  	[smem:$0x3F95] =	sst s10  }
0x35: {  	s10 =	sld [smem:$0x3F94];
	_ =	sdelay $0x3  }
0x36: {  	p1 =	seq.s32 s10, $0x1;
	s10 =	sld [smem:$0x3F95];
	_ =	sdelay $0x3  }
0x37: {  	[smem:$0x3F95] =	sst s10  }
0x38: {  	s10 =	sld [smem:$0x3F96]  }
0x39: {  	_ = 	snop;
	(pc) =	sbr.ind lr, $3  }
0x3a: {  	_ = 	snop  }
0x3b: {  	_ = 	snop  }
0x3c: {  	p2 =	seq.s32 s10, $0x1;
	s10 =	sld [smem:$0x3F95]  }
0x3d: {  	_ =	shalt  }
0x3e: {  	_ =	shalt  }
0x3f: {  	_ =	shalt  }
0x40: {  	_ =	shalt  }
0x41: {  	_ =	shalt  }
0x42: {  	_ =	shalt  }
0x43: {  	_ =	shalt  }
0x44: {  	_ =	shalt  }
0x45: {  	_ =	shalt  }
0x46: {  	_ =	shalt  }
0x47: {  	_ =	shalt  }
0x48: {  	_ =	shalt  }
0x49: {  	_ =	shalt  }
0x4a: {  	_ =	shalt  }
0x4b: {  	_ =	shalt  }
0x4c: {  	_ =	shalt  }
0x4d: {  	_ =	shalt  }
0x4e: {  	_ =	shalt  }
0x4f: {  	_ =	shalt  }
0x50: {  	_ =	shalt  }
0x51: {  	_ =	shalt  }
0x52: {  	_ =	shalt  }
0x53: {  	_ =	shalt  }
0x54: {  	_ =	shalt  }
0x55: {  	_ =	shalt  }
0x56: {  	_ =	shalt  }
0x57: {  	_ =	shalt  }
0x58: {  	_ =	shalt  }
0x59: {  	_ =	shalt  }
0x5a: {  	_ =	shalt  }
0x5b: {  	_ =	shalt  }
0x5c: {  	_ =	shalt  }
0x5d: {  	_ =	shalt  }
0x5e: {  	_ =	shalt  }
0x5f: {  	_ =	shalt  }
0x60: {  	_ =	shalt  }
0x61: {  	_ =	shalt  }
0x62: {  	_ =	shalt  }
0x63: {  	_ =	shalt  }
0x64: {  	_ =	shalt  }
0x65: {  	_ =	shalt  }
0x66: {  	_ =	shalt  }
0x67: {  	_ =	shalt  }
0x68: {  	_ =	shalt  }
0x69: {  	_ =	shalt  }
0x6a: {  	_ =	shalt  }
0x6b: {  	_ =	shalt  }
0x6c: {  	_ =	shalt  }
0x6d: {  	_ =	shalt  }
0x6e: {  	_ =	shalt  }
0x6f: {  	_ =	shalt  }
0x70: {  	_ =	shalt  }
0x71: {  	_ =	shalt  }
0x72: {  	_ =	shalt  }
0x73: {  	_ =	shalt  }
0x74: {  	_ =	shalt  }
0x75: {  	_ =	shalt  }
0x76: {  	_ =	shalt  }
0x77: {  	_ =	shalt  }
0x78: {  	_ =	shalt  }
0x79: {  	_ =	shalt  }
0x7a: {  	_ =	shalt  }
0x7b: {  	_ =	shalt  }
0x7c: {  	_ =	shalt  }
0x7d: {  	_ =	shalt  }
0x7e: {  	_ =	shalt  }
0x7f: {  	_ =	shalt  }
0x80: {  	_ =	shalt  }
0x81: {  	_ =	shalt  }
0x82: {  	_ =	shalt  }
0x83: {  	_ =	shalt  }
0x84: {  	_ =	shalt  }
0x85: {  	_ =	shalt  }
0x86: {  	_ =	shalt  }
0x87: {  	_ =	shalt  }
.Lfunc_end0:
.L_simem_size_0:
called_computation_lowered:
.L_overlay_start_0:
0x88: {  	s2 =	sld [smem:$0x3FD9]  }
0x89: {  	s3 =	sld [smem:$0x3FFE];
	_ =	sdelay $0x1  }
0x8a: {  	s1 =	srdreg.scid  }
0x8b: {  	s0 =	sand.u32 $0x1, s1  }
0x8c: {  	s17 =	sshll.u32 s0, $0xA;
	s2 =	sadd.s32 s3, s2  }
0x8d: {  	s2 =	sadd.s32 s2, s17  }
0x8e: {  	[smem:$0x3FA1] =	sst s2  }
0x8f: {  	_ = 	snop  }
0x90: {  	s2 =	sld [smem:$0x3FD0];
	(tm) =	ssettm $0x1  }
0x91: {  	s18 =	sld [smem:$0x3FFB];
	_ =	sdelay $0x3  }
0x92: {  	_ =	strace s18  }
0x93: {  	s3 =	sld [smem:$0x3FFC];
	_ =	sdelay $0x3  }
0x94: {  	_ =	strace s3  }
0x95: {  	s3 =	sld [smem:$0x3FFD];
	_ =	sdelay $0x3  }
0x96: {  	_ =	strace s3  }
0x97: {  	_ =	strace $0x8FFFFFFF  }
0x98: {  	s19 =	sld [smem:$0x3FDB];
	_ =	sdelay $0x1  }
0x99: {  	s4 =	simm.s32 $_scs_section_size  }
0x9a: {  	s5 =	simm.s32 $_size__tile_overlayer_lowered;
	s6 =	simm.s32 $_tile_overlayer_lowered  }
0x9b: {  	s22 =	simm.s32 $0x1BFF;
	s21 =	sshll.u32 s6, $0x1;
	s3 =	sadd.s32 s4, s19  }
0x9c: {  	s7 =	simm.s32 $0x0;
	s20 =	sshll.u32 s5, $0x1;
	s5 =	sadd.s32 s21, s3  }
0x9d: {  	[timem:s7], [sflag:s22] =	dma.local [hbm:s5], s20  }
0x9e: {  	_ =	swait.ge [sflag:s22], s20  }
0x9f: {  	s4 =	ssub.s32 $0x0, s20;
	[sflag:s22] =	ssyncset.done $0x0  }
0xa0: {  	[sflag:s22] =	ssyncadd.s32 s4;
	_ =	sdelay $0x1  }
0xa1: {  	s23 =	simm.s32 $0x1B8B  }
0xa2: {  	_ =	swait.ge [sflag:s23], $0x1  }
0xa3: {  	[sflag:s23] =	ssyncset.done $0x0  }
0xa4: {  	s25 =	simm.s32 $0x1B8E;
	s24 =	sld [smem:$0x3FFE];
	[sflag:s23] =	ssyncadd.s32 $0xFFFFFFFF  }
0xa5: {  	s26 =	simm.s32 $execute0_lowered;
	[smem:$0x3FD2] =	sst s25  }
0xa6: {  	s5 =	sshll.u32 s26, $0x1;
	_ =	strace $0x80000046;
	[dreg:$0x1] =	wrdreg $0xFFFFFFFF  }
0xa7: {  	s28 =	simm.s32 $_size_execute0_lowered;
	s3 =	sadd.s32 s3, s5;
	[dreg:$0x0] =	wrdreg $0x0  }
0xa8: {  	s5 =	sshll.u32 s28, $0x1;
	[dreg:$0x2] =	wrdreg s3  }
0xa9: {  	[dreg:$0x3] =	wrdreg s5  }
0xaa: {  	[dreg:$0x4] =	wrdreg $0xC0  }
0xab: {  	_ =	task [dreg:s7], $0x5FFFF  }
0xac: {  	[dreg:$0x1] =	wrdreg $0xFFFFFFFF  }
0xad: {  	[dreg:$0x0] =	wrdreg $0x60  }
0xae: {  	[dreg:$0x2] =	wrdreg s2  }
0xaf: {  	[dreg:$0x3] =	wrdreg s24  }
0xb0: {  	[dreg:$0x4] =	wrdreg $0x9  }
0xb1: {  	_ =	task.clear_ibuf [dreg:s7], $0x5FFFF;
	_ =	strace $0x90000046  }
0xb2: {  	s29 =	simm.s32 $0x9;
	_ =	strace $0x80000048  }
0xb3: {  	_ =	swait.ge [sflag:s29], $0x1  }
0xb4: {  	[sflag:s29] =	ssyncadd.s32 $0xFFFFFFFF  }
0xb5: {  	_ =	strace $0x90000048  }
0xb6: {  	_ =	sfence  }
0xb7: {  	s30 =	sld [smem:$0x0];
	_ =	sdelay $0x2  }
0xb8: {  	s31 =	sshll.u32 s1, $0xD;
	s1 =	sshrl.u32 s1, $0x2  }
0xb9: {  	s3 =	sand.u32 $0x4000, s31;
	s1 =	sadd.s32 s1, s30  }
0xba: {  	s0 =	sor.u32 s3, s0;
	s1 =	sshll.u32 s1, $0x11  }
0xbb: {  	s0 =	sor.u32 s1, s0  }
0xbc: {  	s0 =	sadd.s32 $0x8F2B, s0  }
0xbd: {  	[sflag:s0] =	ssyncadd.remote.s32 $0x1  }
0xbe: {  	_ =	sfence.sel $0xFFFF  }
0xbf: {  	[dreg:$0x0] =	wrdreg $0xFFFFFFFF;
	(pc) =	sbr.abs _section_cstart, $3  }
0xc0: {  	[dreg:$0x1] =	wrdreg $0xFFFFFFFF  }
0xc1: {  	_ =	task.clear_ibuf [dreg:s7], $0x2FFFF;
	_ =	strace $0x9FFFFFFF  }
0xc2: {  	(tm) =	ssettm $0x7FFFFFFF  }
0xc3: {  	_ =	shalt  }
tec
execute0_lowered:
.L_overlay_start_1:
0x0: {  	(tag) =	ssettag $0x1  }
0x1: {  	s4 =	rddreg [dreg:$0x0]  }
0x2: {  	s3 =	rddreg [dreg:$0x1]  }
0x3: {  	s0 =	rddreg [dreg:$0x2];
	s2 =	simm.s32 $0x0;
	s1 =	stileid.u32  }
0x4: {  	s25 =	srdreg.scid;
	[smem:$0x7FF] =	sst s2  }
0x5: {  	s5 =	sand.u32 $0xE, s1;
	s7 =	sshll.u32 s1, $0x1;
	s8 =	sshrl.u32 s1, $0x1  }
0x6: {  	s12 =	sadd.s32 $0x5800, s3;
	_ =	strace $0x80000047;
	s6 =	sadd.s32 s5, s3  }
0x7: {  	s5 =	sand.u32 $0x1, s25;
	s7 =	sand.u32 $0x2, s7;
	s10 =	smul.u32 $0x300, s8  }
0x8: {  	s26 =	smul.u32 $0x1800, s8;
	s8 =	sshll.u32 s8, $0x4;
	s9 =	ssub.s32 $0x2, s5  }
0x9: {  	s5 =	sor.u32 s5, s7;
	s6 =	sadd.s32 $0x5600, s6;
	s11 =	sshrl.u32 s9, $0x1  }
0xa: {  	s13 =	sshll.u32 s5, $0x2;
	s3 =	sadd.s32 s4, s10;
	s7 =	sshrl.u32 s26, $0x3  }
0xb: {  	s17 =	sshllo.u32 s5, $0x2;
	s11 =	ssub.s32 s9, s11;
	s7 =	sadd.s32 s4, s7  }
0xc: {  	s28 =	sor.u32 s8, s13;
	s14 =	sor.u32 $0x1, s13;
	s16 =	sor.u32 $0x2, s13  }
0xd: {  	v0 =	vmov s13;
	s13 =	simm.s32 $0x1800;
	s29 =	smul.u32 $0x12, s28;
	s30 =	sor.u32 s8, s14  }
0xe: {  	s15 =	sor.u32 s8, s16;
	s4 =	sadd.s32 $0x100, s7;
	s31 =	smul.u32 $0x12, s30  }
0xf: {  	s8 =	sor.u32 s8, s17;
	s5 =	sadd.s32 $0x200, s7;
	s15 =	smul.u32 $0x12, s15  }
0x10: {  	s11 =	smax.u32 s11, $0x1;
	v1 =	vmov s14;
	s14 =	simm.s32 $0x1880;
	s18 =	smul.u32 $0x12, s8  }
0x11: {  	v4 =	vmov s17;
	v3 =	vmov s16;
	s16 =	simm.s32 $0x800;
	s17 =	simm.s32 $0x1000;
	s7 =	sadd.s32 s12, s29  }
0x12: {  	v2 =	vlaneseq.u32;
	s8 =	sadd.s32 s12, s31;
	s9 =	sadd.s32 s12, s15;
	s10 =	sadd.s32 s12, s18  }
0x13: {  	v5 =	vor.u32 $0x10, v2;
	s12 =	simm.s32 $0x1;
	s15 =	simm.s32 $0x2100;
	s18 =	simm.s32 $0x0  }
.LBB2_1:
0x14: {  	[tilespmem:s2], [sflag:$0x1] =	stream.linear.gather [hbm4b:s3+s2], $0x800, $0x38;
	[tilespmem:$0x2200] =	vst v63  }
0x15: {  	_ =	swait.ge [sflag:s12], $0x800  }
0x16: {  	[sflag:s12] =	ssyncset.done $0x0  }
0x17: {  	[sflag:s12] =	ssyncadd.s32 $0xFFFFF800  }
0x18: {  	[tilespmem:s16], [sflag:$0x1] =	stream.linear.gather [hbm4b:s4+s2], $0x800, $0x38;
	[tilespmem:$0x2200] =	vst v63  }
0x19: {  	_ =	swait.ge [sflag:s12], $0x800  }
0x1a: {  	[sflag:s12] =	ssyncset.done $0x0  }
0x1b: {  	[sflag:s12] =	ssyncadd.s32 $0xFFFFF800  }
0x1c: {  	[tilespmem:s17], [sflag:$0x1] =	stream.linear.gather [hbm4b:s5+s2], $0x800, $0x38;
	[tilespmem:$0x2200] =	vst v63  }
0x1d: {  	_ =	swait.ge [sflag:s12], $0x800  }
0x1e: {  	[sflag:s12] =	ssyncset.done $0x0  }
0x1f: {  	[sflag:s12] =	ssyncadd.s32 $0xFFFFF800  }
0x20: {  	[tilespmem:s13], [sflag:$0x1] =	stream.linear.gather [hbm4b:s6+s2], $0x10, $0x38;
	[tilespmem:$0x2200] =	vst v63  }
0x21: {  	_ =	swait.ge [sflag:s12], $0x10  }
0x22: {  	[sflag:s12] =	ssyncset.done $0x0  }
0x23: {  	[sflag:s12] =	ssyncadd.s32 $0xFFFFFFF0  }
0x24: {  	v6 =	vld.idx.msk [tilespmem:v0+s13+$0x0], $0xffff;
	_ =	sdelay $0x5  }
0x25: {  	v9 =	vld [tilespmem:s16+$0x0]  }
0x26: {  	v10 =	vld [tilespmem:s2+$0x0]  }
0x27: {  	v8 =	vld.idx.msk [tilespmem:v6+s2+$0x0], $0xffff  }
0x28: {  	v7 =	vld.idx.msk [tilespmem:v6+s16+$0x0], $0xffff  }
0x29: {  	v11 =	vld [tilespmem:s17+$0x0]  }
0x2a: {  	v6 =	vld.idx.msk [tilespmem:v6+s17+$0x0], $0xffff;
	_ =	sdelay $0x2  }
0x2b: {  	v10 =	vsub.f32 v10, v8;
	v9 =	vsub.f32 v9, v7;
	_ =	sdelay $0x1  }
0x2c: {  	v11 =	vsub.f32 v11, v6;
	v10 =	vmul.f32 v10, v10;
	v9 =	vmul.f32 v9, v9;
	_ =	sdelay $0x1  }
0x2d: {  	v9 =	vadd.f32 v9, v10;
	v10 =	vmul.f32 v11, v11;
	_ =	sdelay $0x1  }
0x2e: {  	v9 =	vadd.f32 v10, v9;
	_ =	sdelay $0x1  }
0x2f: {  	vm0 =	vle.f32 v9, $9.000000350e-02  }
0x30: {  	v9 =	vmpcnt.ones.xlane vm0  }
0x31: {  	v10 =	vor.u32 s2, v2  }
0x32: {  	[tilespmem:s2+$0x1880] =	vst.msk vm0, v10;
	v10 =	vxor.u32 $0x80000000, v9  }
0x33: {  	(xrf0) =	vmax.scan.msk.u32 $0xffff, v10;
	_ =	sdelay $0x2  }
0x34: {  	s21 =	simm.s32 $0x810  }
0x35: {  	s19 =	simm.s32 $0x10;
	s22 =	simm.s32 $0x20;
	v9 =	vld [tilespmem:s21+$0x0]  }
0x36: {  	s23 =	simm.s32 $0x1000;
	s20 =	simm.s32 $0x0;
	s24 =	simm.s32 $0x10;
	v10 =	vld [tilespmem:s19+$0x0]  }
.LBB2_2:
0x37: {  	p0 =	sne.s32 s22, $0x7F0;
	s23 =	sadd.s32 $0x10, s23;
	v11, _, _ =	vpop (xrf0)  }
0x38: {  	v12 =	vld [tilespmem:s23+$0x0];
	(v2sf) =	vpush v11, $0xF;
	_ =	sdelay $0x2  }
0x39: {  	v9 =	vsub.f32 v9, v7;
	v10 =	vsub.f32 v10, v8;
	_ =	sdelay $0x1  }
0x3a: {  	v9 =	vmul.f32 v9, v9;
	v11 =	vsub.f32 v12, v6;
	v10 =	vmul.f32 v10, v10;
	_ =	sdelay $0x1  }
0x3b: {  	v9 =	vadd.f32 v9, v10;
	v10 =	vmul.f32 v11, v11;
	_ =	sdelay $0x1  }
0x3c: {  	v9 =	vadd.f32 v10, v9;
	_ =	sdelay $0x1  }
0x3d: {  	vm0 =	vle.f32 v9, $9.000000350e-02  }
0x3e: {  	v9 =	vmpcnt.ones.xlane vm0;
	_ =	sdelay $0x1  }
0x3f: {  	v9 =	vxor.u32 $0x80000000, v9  }
0x40: {  	(xrf0) =	vmax.scan.msk.u32 $0xffff, v9;
	s25 =	spop (v2sf)  }
.Ltmp0:
0x41: {  	s20 =	sadd.s32 s25, s20;
	(pc) =	sbr.rel @p0 .LBB2_2-.Ltmp0, $4  }
0x42: {  	v9 =	vor.u32 s19, v2;
	s19 =	smov.u32 s22;
	s20 =	sadd.s32 $0x80000000, s20  }
0x43: {  	s21 =	sadd.s32 $0x10, s21;
	[tilespmem:s20+$0x1880] =	vst.msk vm0, v9  }
0x44: {  	s24 =	sadd.s32 $0x10, s24;
	v9 =	vld [tilespmem:s21+$0x0]  }
0x45: {  	s22 =	sadd.s32 $0x10, s22;
	v10 =	vld [tilespmem:s24+$0x0]  }
0x46: {  	s21 =	sadd.s32 $0x10, s23  }
0x47: {  	v11 =	vld [tilespmem:s21+$0x0];
	_ =	sdelay $0x2  }
0x48: {  	v9 =	vsub.f32 v9, v7;
	v10 =	vsub.f32 v10, v8;
	_ =	sdelay $0x1  }
0x49: {  	v9 =	vmul.f32 v9, v9;
	v11 =	vsub.f32 v11, v6;
	v10 =	vmul.f32 v10, v10;
	_ =	sdelay $0x1  }
0x4a: {  	v9 =	vadd.f32 v9, v10;
	v10 =	vmul.f32 v11, v11;
	_ =	sdelay $0x1  }
0x4b: {  	v9 =	vadd.f32 v10, v9;
	_ =	sdelay $0x1  }
0x4c: {  	vm0 =	vle.f32 v9, $9.000000350e-02  }
0x4d: {  	v9 =	vmpcnt.ones.xlane vm0;
	_ =	sdelay $0x1  }
0x4e: {  	v9 =	vxor.u32 $0x80000000, v9;
	_ =	sdelay $0x1  }
0x4f: {  	(xrf0) =	vmax.scan.msk.u32 $0xffff, v9  }
0x50: {  	v9, _, _ =	vpop (xrf0)  }
0x51: {  	(v2sf) =	vpush v9, $0xF;
	_ =	sdelay $0x3  }
0x52: {  	v9, _, _ =	vpop (xrf0)  }
0x53: {  	(v2sf) =	vpush v9, $0xF;
	_ =	sdelay $0x9  }
0x54: {  	s28 =	spop (v2sf)  }
0x55: {  	s20 =	sadd.s32 s28, s20  }
0x56: {  	v9 =	vor.u32 s19, v2;
	s29 =	sadd.s32 $0x80000000, s20  }
0x57: {  	[tilespmem:s29+$0x1880] =	vst.msk vm0, v9  }
0x58: {  	v9 =	vld.msk [tilespmem:s14+$0x0], $0xffff  }
0x59: {  	s30 =	spop (v2sf);
	v10 =	vld [tilespmem:$0x1880]  }
0x5a: {  	s19 =	sadd.s32 s30, s29  }
0x5b: {  	s19 =	sadd.s32 $0x80000000, s19  }
0x5c: {  	v11 =	vmov s19  }
0x5d: {  	vm13 =	vgt.s32 v11, v2  }
0x5e: {  	v10 =	vsel vm13, v10, v9  }
0x5f: {  	v12 =	vld [tilespmem:$0x1890];
	_ =	sdelay $0x2  }
0x60: {  	s19 =	simm.s32 $0x0  }
0x61: {  	vm14 =	vgt.s32 v11, v5;
	v11 =	vld.idx.msk [tilespmem:v10+s19+$0x0], $0xffff  }
0x62: {  	v9 =	vsel vm14, v12, v9;
	_ =	sdelay $0x3  }
0x63: {  	[tilespmem:$0x2100] =	vst v11  }
0x64: {  	v11 =	vld.idx.msk [tilespmem:v9+s19+$0x0], $0xffff;
	_ =	sdelay $0x3  }
0x65: {  	[tilespmem:$0x2120] =	vst v8  }
0x66: {  	s31 =	simm.s32 $0x800;
	[tilespmem:$0x2110] =	vst v11  }
0x67: {  	v8 =	vld.idx.msk [tilespmem:v10+s31+$0x0], $0xffff;
	_ =	sdelay $0x4  }
0x68: {  	[tilespmem:$0x2130] =	vst v8  }
0x69: {  	v8 =	vld.idx.msk [tilespmem:v9+s31+$0x0], $0xffff;
	_ =	sdelay $0x3  }
0x6a: {  	[tilespmem:$0x2150] =	vst v7  }
0x6b: {  	s20 =	simm.s32 $0x1000;
	[tilespmem:$0x2140] =	vst v8  }
0x6c: {  	v7 =	vld.idx.msk [tilespmem:v10+s20+$0x0], $0xffff;
	_ =	sdelay $0x4  }
0x6d: {  	[tilespmem:$0x2160] =	vst v7  }
0x6e: {  	v7 =	vld.idx.msk [tilespmem:v9+s20+$0x0], $0xffff;
	_ =	sdelay $0x3  }
0x6f: {  	[tilespmem:$0x2180] =	vst v6  }
0x70: {  	[tilespmem:$0x2170] =	vst v7  }
0x71: {  	[hbm4b:s7+s19] =	stream.linear.scatter [tilespmem:s15], [sflag:$0x1], $0x90, $0x38;
	[tilespmem:$0x2200] =	vst v63  }
0x72: {  	_ =	swait.ge [sflag:s12], $0x90  }
0x73: {  	[sflag:s12] =	ssyncset.done $0x0  }
0x74: {  	[sflag:s12] =	ssyncadd.s32 $0xFFFFFF70  }
0x75: {  	v6 =	vld.idx.msk [tilespmem:v1+s13+$0x0], $0xffff;
	_ =	sdelay $0x5  }
0x76: {  	v9 =	vld [tilespmem:s31+$0x0]  }
0x77: {  	v10 =	vld [tilespmem:s19+$0x0]  }
0x78: {  	v8 =	vld.idx.msk [tilespmem:v6+s19+$0x0], $0xffff  }
0x79: {  	v7 =	vld.idx.msk [tilespmem:v6+s31+$0x0], $0xffff  }
0x7a: {  	v11 =	vld [tilespmem:s20+$0x0]  }
0x7b: {  	v6 =	vld.idx.msk [tilespmem:v6+s20+$0x0], $0xffff;
	_ =	sdelay $0x2  }
0x7c: {  	v10 =	vsub.f32 v10, v8;
	v9 =	vsub.f32 v9, v7;
	_ =	sdelay $0x1  }
0x7d: {  	v11 =	vsub.f32 v11, v6;
	v10 =	vmul.f32 v10, v10;
	v9 =	vmul.f32 v9, v9;
	_ =	sdelay $0x1  }
0x7e: {  	v9 =	vadd.f32 v9, v10;
	v10 =	vmul.f32 v11, v11;
	_ =	sdelay $0x1  }
0x7f: {  	v9 =	vadd.f32 v10, v9;
	_ =	sdelay $0x1  }
0x80: {  	vm15 =	vle.f32 v9, $9.000000350e-02  }
0x81: {  	v9 =	vmpcnt.ones.xlane vm15  }
0x82: {  	v10 =	vor.u32 s19, v2  }
0x83: {  	[tilespmem:s19+$0x1880] =	vst.msk vm15, v10;
	v10 =	vxor.u32 $0x80000000, v9  }
0x84: {  	(xrf0) =	vmax.scan.msk.u32 $0xffff, v10;
	_ =	sdelay $0x2  }
0x85: {  	s22 =	simm.s32 $0x810  }
0x86: {  	s21 =	simm.s32 $0x10;
	v9 =	vld [tilespmem:s22+$0x0]  }
0x87: {  	s23 =	simm.s32 $0x20;
	s24 =	simm.s32 $0x10;
	v10 =	vld [tilespmem:s21+$0x0]  }
.LBB2_4:
0x88: {  	p0 =	sne.s32 s23, $0x7F0;
	s20 =	sadd.s32 $0x10, s20;
	v11, _, _ =	vpop (xrf0)  }
0x89: {  	v12 =	vld [tilespmem:s20+$0x0];
	(v2sf) =	vpush v11, $0xF;
	_ =	sdelay $0x2  }
0x8a: {  	v9 =	vsub.f32 v9, v7;
	v10 =	vsub.f32 v10, v8;
	_ =	sdelay $0x1  }
0x8b: {  	v9 =	vmul.f32 v9, v9;
	v11 =	vsub.f32 v12, v6;
	v10 =	vmul.f32 v10, v10;
	_ =	sdelay $0x1  }
0x8c: {  	v9 =	vadd.f32 v9, v10;
	v10 =	vmul.f32 v11, v11;
	_ =	sdelay $0x1  }
0x8d: {  	v9 =	vadd.f32 v10, v9;
	_ =	sdelay $0x1  }
0x8e: {  	vm0 =	vle.f32 v9, $9.000000350e-02  }
0x8f: {  	v9 =	vmpcnt.ones.xlane vm0;
	_ =	sdelay $0x1  }
0x90: {  	v9 =	vxor.u32 $0x80000000, v9  }
0x91: {  	(xrf0) =	vmax.scan.msk.u32 $0xffff, v9;
	s25 =	spop (v2sf)  }
.Ltmp1:
0x92: {  	s19 =	sadd.s32 s25, s19;
	(pc) =	sbr.rel @p0 .LBB2_4-.Ltmp1, $4  }
0x93: {  	v9 =	vor.u32 s21, v2;
	s21 =	smov.u32 s23;
	s19 =	sadd.s32 $0x80000000, s19  }
0x94: {  	s22 =	sadd.s32 $0x10, s22;
	[tilespmem:s19+$0x1880] =	vst.msk vm0, v9  }
0x95: {  	s24 =	sadd.s32 $0x10, s24;
	v9 =	vld [tilespmem:s22+$0x0]  }
0x96: {  	s23 =	sadd.s32 $0x10, s23;
	v10 =	vld [tilespmem:s24+$0x0]  }
0x97: {  	s20 =	sadd.s32 $0x10, s20  }
0x98: {  	v11 =	vld [tilespmem:s20+$0x0];
	_ =	sdelay $0x2  }
0x99: {  	v9 =	vsub.f32 v9, v7;
	v10 =	vsub.f32 v10, v8;
	_ =	sdelay $0x1  }
0x9a: {  	v9 =	vmul.f32 v9, v9;
	v11 =	vsub.f32 v11, v6;
	v10 =	vmul.f32 v10, v10;
	_ =	sdelay $0x1  }
0x9b: {  	v9 =	vadd.f32 v9, v10;
	v10 =	vmul.f32 v11, v11;
	_ =	sdelay $0x1  }
0x9c: {  	v9 =	vadd.f32 v10, v9;
	_ =	sdelay $0x1  }
0x9d: {  	vm0 =	vle.f32 v9, $9.000000350e-02  }
0x9e: {  	v9 =	vmpcnt.ones.xlane vm0;
	_ =	sdelay $0x1  }
0x9f: {  	v9 =	vxor.u32 $0x80000000, v9;
	_ =	sdelay $0x1  }
0xa0: {  	(xrf0) =	vmax.scan.msk.u32 $0xffff, v9  }
0xa1: {  	v9, _, _ =	vpop (xrf0)  }
0xa2: {  	(v2sf) =	vpush v9, $0xF;
	_ =	sdelay $0x3  }
0xa3: {  	v9, _, _ =	vpop (xrf0)  }
0xa4: {  	(v2sf) =	vpush v9, $0xF;
	_ =	sdelay $0x9  }
0xa5: {  	s29 =	spop (v2sf)  }
0xa6: {  	s19 =	sadd.s32 s29, s19  }
0xa7: {  	v9 =	vor.u32 s21, v2;
	s19 =	sadd.s32 $0x80000000, s19  }
0xa8: {  	[tilespmem:s19+$0x1880] =	vst.msk vm0, v9  }
0xa9: {  	v9 =	vld.msk [tilespmem:s14+$0x0], $0xffff  }
0xaa: {  	s30 =	spop (v2sf);
	v10 =	vld [tilespmem:$0x1880]  }
0xab: {  	s19 =	sadd.s32 s30, s19  }
0xac: {  	s19 =	sadd.s32 $0x80000000, s19  }
0xad: {  	v11 =	vmov s19  }
0xae: {  	vm13 =	vgt.s32 v11, v2  }
0xaf: {  	v10 =	vsel vm13, v10, v9  }
0xb0: {  	v12 =	vld [tilespmem:$0x1890];
	_ =	sdelay $0x2  }
0xb1: {  	s19 =	simm.s32 $0x0  }
0xb2: {  	vm14 =	vgt.s32 v11, v5;
	v11 =	vld.idx.msk [tilespmem:v10+s19+$0x0], $0xffff  }
0xb3: {  	v9 =	vsel vm14, v12, v9;
	_ =	sdelay $0x3  }
0xb4: {  	[tilespmem:$0x2100] =	vst v11  }
0xb5: {  	v11 =	vld.idx.msk [tilespmem:v9+s19+$0x0], $0xffff;
	_ =	sdelay $0x3  }
0xb6: {  	[tilespmem:$0x2120] =	vst v8  }
0xb7: {  	s31 =	simm.s32 $0x800;
	[tilespmem:$0x2110] =	vst v11  }
0xb8: {  	v8 =	vld.idx.msk [tilespmem:v10+s31+$0x0], $0xffff;
	_ =	sdelay $0x4  }
0xb9: {  	[tilespmem:$0x2130] =	vst v8  }
0xba: {  	v8 =	vld.idx.msk [tilespmem:v9+s31+$0x0], $0xffff;
	_ =	sdelay $0x3  }
0xbb: {  	[tilespmem:$0x2150] =	vst v7  }
0xbc: {  	s20 =	simm.s32 $0x1000;
	[tilespmem:$0x2140] =	vst v8  }
0xbd: {  	v7 =	vld.idx.msk [tilespmem:v10+s20+$0x0], $0xffff;
	_ =	sdelay $0x4  }
0xbe: {  	[tilespmem:$0x2160] =	vst v7  }
0xbf: {  	v7 =	vld.idx.msk [tilespmem:v9+s20+$0x0], $0xffff;
	_ =	sdelay $0x3  }
0xc0: {  	[tilespmem:$0x2180] =	vst v6  }
0xc1: {  	[tilespmem:$0x2170] =	vst v7  }
0xc2: {  	[hbm4b:s8+s19] =	stream.linear.scatter [tilespmem:s15], [sflag:$0x1], $0x90, $0x38;
	[tilespmem:$0x2200] =	vst v63  }
0xc3: {  	_ =	swait.ge [sflag:s12], $0x90  }
0xc4: {  	[sflag:s12] =	ssyncset.done $0x0  }
0xc5: {  	[sflag:s12] =	ssyncadd.s32 $0xFFFFFF70  }
0xc6: {  	v6 =	vld.idx.msk [tilespmem:v3+s13+$0x0], $0xffff;
	_ =	sdelay $0x5  }
0xc7: {  	v9 =	vld [tilespmem:s31+$0x0]  }
0xc8: {  	v10 =	vld [tilespmem:s19+$0x0]  }
0xc9: {  	v8 =	vld.idx.msk [tilespmem:v6+s19+$0x0], $0xffff  }
0xca: {  	v7 =	vld.idx.msk [tilespmem:v6+s31+$0x0], $0xffff  }
0xcb: {  	v11 =	vld [tilespmem:s20+$0x0]  }
0xcc: {  	v6 =	vld.idx.msk [tilespmem:v6+s20+$0x0], $0xffff;
	_ =	sdelay $0x2  }
0xcd: {  	v10 =	vsub.f32 v10, v8;
	v9 =	vsub.f32 v9, v7;
	_ =	sdelay $0x1  }
0xce: {  	v11 =	vsub.f32 v11, v6;
	v10 =	vmul.f32 v10, v10;
	v9 =	vmul.f32 v9, v9;
	_ =	sdelay $0x1  }
0xcf: {  	v9 =	vadd.f32 v9, v10;
	v10 =	vmul.f32 v11, v11;
	_ =	sdelay $0x1  }
0xd0: {  	v9 =	vadd.f32 v10, v9;
	_ =	sdelay $0x1  }
0xd1: {  	vm15 =	vle.f32 v9, $9.000000350e-02  }
0xd2: {  	v9 =	vmpcnt.ones.xlane vm15  }
0xd3: {  	v10 =	vor.u32 s19, v2  }
0xd4: {  	[tilespmem:s19+$0x1880] =	vst.msk vm15, v10;
	v10 =	vxor.u32 $0x80000000, v9  }
0xd5: {  	(xrf0) =	vmax.scan.msk.u32 $0xffff, v10;
	_ =	sdelay $0x2  }
0xd6: {  	s22 =	simm.s32 $0x810  }
0xd7: {  	s21 =	simm.s32 $0x10;
	v9 =	vld [tilespmem:s22+$0x0]  }
0xd8: {  	s23 =	simm.s32 $0x20;
	s24 =	simm.s32 $0x10;
	v10 =	vld [tilespmem:s21+$0x0]  }
.LBB2_6:
0xd9: {  	p0 =	sne.s32 s23, $0x7F0;
	s20 =	sadd.s32 $0x10, s20;
	v11, _, _ =	vpop (xrf0)  }
0xda: {  	v12 =	vld [tilespmem:s20+$0x0];
	(v2sf) =	vpush v11, $0xF;
	_ =	sdelay $0x2  }
0xdb: {  	v9 =	vsub.f32 v9, v7;
	v10 =	vsub.f32 v10, v8;
	_ =	sdelay $0x1  }
0xdc: {  	v9 =	vmul.f32 v9, v9;
	v11 =	vsub.f32 v12, v6;
	v10 =	vmul.f32 v10, v10;
	_ =	sdelay $0x1  }
0xdd: {  	v9 =	vadd.f32 v9, v10;
	v10 =	vmul.f32 v11, v11;
	_ =	sdelay $0x1  }
0xde: {  	v9 =	vadd.f32 v10, v9;
	_ =	sdelay $0x1  }
0xdf: {  	vm0 =	vle.f32 v9, $9.000000350e-02  }
0xe0: {  	v9 =	vmpcnt.ones.xlane vm0;
	_ =	sdelay $0x1  }
0xe1: {  	v9 =	vxor.u32 $0x80000000, v9  }
0xe2: {  	(xrf0) =	vmax.scan.msk.u32 $0xffff, v9;
	s25 =	spop (v2sf)  }
.Ltmp2:
0xe3: {  	s19 =	sadd.s32 s25, s19;
	(pc) =	sbr.rel @p0 .LBB2_6-.Ltmp2, $4  }
0xe4: {  	v9 =	vor.u32 s21, v2;
	s21 =	smov.u32 s23;
	s19 =	sadd.s32 $0x80000000, s19  }
0xe5: {  	s22 =	sadd.s32 $0x10, s22;
	[tilespmem:s19+$0x1880] =	vst.msk vm0, v9  }
0xe6: {  	s24 =	sadd.s32 $0x10, s24;
	v9 =	vld [tilespmem:s22+$0x0]  }
0xe7: {  	s23 =	sadd.s32 $0x10, s23;
	v10 =	vld [tilespmem:s24+$0x0]  }
0xe8: {  	s20 =	sadd.s32 $0x10, s20  }
0xe9: {  	v11 =	vld [tilespmem:s20+$0x0];
	_ =	sdelay $0x2  }
0xea: {  	v9 =	vsub.f32 v9, v7;
	v10 =	vsub.f32 v10, v8;
	_ =	sdelay $0x1  }
0xeb: {  	v9 =	vmul.f32 v9, v9;
	v11 =	vsub.f32 v11, v6;
	v10 =	vmul.f32 v10, v10;
	_ =	sdelay $0x1  }
0xec: {  	v9 =	vadd.f32 v9, v10;
	v10 =	vmul.f32 v11, v11;
	_ =	sdelay $0x1  }
0xed: {  	v9 =	vadd.f32 v10, v9;
	_ =	sdelay $0x1  }
0xee: {  	vm0 =	vle.f32 v9, $9.000000350e-02  }
0xef: {  	v9 =	vmpcnt.ones.xlane vm0;
	_ =	sdelay $0x1  }
0xf0: {  	v9 =	vxor.u32 $0x80000000, v9;
	_ =	sdelay $0x1  }
0xf1: {  	(xrf0) =	vmax.scan.msk.u32 $0xffff, v9  }
0xf2: {  	v9, _, _ =	vpop (xrf0)  }
0xf3: {  	(v2sf) =	vpush v9, $0xF;
	_ =	sdelay $0x3  }
0xf4: {  	v9, _, _ =	vpop (xrf0)  }
0xf5: {  	(v2sf) =	vpush v9, $0xF;
	_ =	sdelay $0x9  }
0xf6: {  	s29 =	spop (v2sf)  }
0xf7: {  	s19 =	sadd.s32 s29, s19  }
0xf8: {  	v9 =	vor.u32 s21, v2;
	s19 =	sadd.s32 $0x80000000, s19  }
0xf9: {  	[tilespmem:s19+$0x1880] =	vst.msk vm0, v9  }
0xfa: {  	v9 =	vld.msk [tilespmem:s14+$0x0], $0xffff  }
0xfb: {  	s30 =	spop (v2sf);
	v10 =	vld [tilespmem:$0x1880]  }
0xfc: {  	s19 =	sadd.s32 s30, s19  }
0xfd: {  	s19 =	sadd.s32 $0x80000000, s19  }
0xfe: {  	v11 =	vmov s19  }
0xff: {  	vm13 =	vgt.s32 v11, v2  }
0x100: {  	v10 =	vsel vm13, v10, v9  }
0x101: {  	v12 =	vld [tilespmem:$0x1890];
	_ =	sdelay $0x2  }
0x102: {  	s19 =	simm.s32 $0x0  }
0x103: {  	vm14 =	vgt.s32 v11, v5;
	v11 =	vld.idx.msk [tilespmem:v10+s19+$0x0], $0xffff  }
0x104: {  	v9 =	vsel vm14, v12, v9;
	_ =	sdelay $0x3  }
0x105: {  	[tilespmem:$0x2100] =	vst v11  }
0x106: {  	v11 =	vld.idx.msk [tilespmem:v9+s19+$0x0], $0xffff;
	_ =	sdelay $0x3  }
0x107: {  	[tilespmem:$0x2120] =	vst v8  }
0x108: {  	s31 =	simm.s32 $0x800;
	[tilespmem:$0x2110] =	vst v11  }
0x109: {  	v8 =	vld.idx.msk [tilespmem:v10+s31+$0x0], $0xffff;
	_ =	sdelay $0x4  }
0x10a: {  	[tilespmem:$0x2130] =	vst v8  }
0x10b: {  	v8 =	vld.idx.msk [tilespmem:v9+s31+$0x0], $0xffff;
	_ =	sdelay $0x3  }
0x10c: {  	[tilespmem:$0x2150] =	vst v7  }
0x10d: {  	s20 =	simm.s32 $0x1000;
	[tilespmem:$0x2140] =	vst v8  }
0x10e: {  	v7 =	vld.idx.msk [tilespmem:v10+s20+$0x0], $0xffff;
	_ =	sdelay $0x4  }
0x10f: {  	[tilespmem:$0x2160] =	vst v7  }
0x110: {  	v7 =	vld.idx.msk [tilespmem:v9+s20+$0x0], $0xffff;
	_ =	sdelay $0x3  }
0x111: {  	[tilespmem:$0x2180] =	vst v6  }
0x112: {  	[tilespmem:$0x2170] =	vst v7  }
0x113: {  	[hbm4b:s9+s19] =	stream.linear.scatter [tilespmem:s15], [sflag:$0x1], $0x90, $0x38;
	[tilespmem:$0x2200] =	vst v63  }
0x114: {  	_ =	swait.ge [sflag:s12], $0x90  }
0x115: {  	[sflag:s12] =	ssyncset.done $0x0  }
0x116: {  	[sflag:s12] =	ssyncadd.s32 $0xFFFFFF70  }
0x117: {  	v6 =	vld.idx.msk [tilespmem:v4+s13+$0x0], $0xffff;
	_ =	sdelay $0x5  }
0x118: {  	v9 =	vld [tilespmem:s31+$0x0]  }
0x119: {  	v10 =	vld [tilespmem:s19+$0x0]  }
0x11a: {  	v8 =	vld.idx.msk [tilespmem:v6+s19+$0x0], $0xffff  }
0x11b: {  	v7 =	vld.idx.msk [tilespmem:v6+s31+$0x0], $0xffff  }
0x11c: {  	v11 =	vld [tilespmem:s20+$0x0]  }
0x11d: {  	v6 =	vld.idx.msk [tilespmem:v6+s20+$0x0], $0xffff;
	_ =	sdelay $0x2  }
0x11e: {  	v10 =	vsub.f32 v10, v8;
	v9 =	vsub.f32 v9, v7;
	_ =	sdelay $0x1  }
0x11f: {  	v11 =	vsub.f32 v11, v6;
	v10 =	vmul.f32 v10, v10;
	v9 =	vmul.f32 v9, v9;
	_ =	sdelay $0x1  }
0x120: {  	v9 =	vadd.f32 v9, v10;
	v10 =	vmul.f32 v11, v11;
	_ =	sdelay $0x1  }
0x121: {  	v9 =	vadd.f32 v10, v9;
	_ =	sdelay $0x1  }
0x122: {  	vm15 =	vle.f32 v9, $9.000000350e-02  }
0x123: {  	v9 =	vmpcnt.ones.xlane vm15  }
0x124: {  	v10 =	vor.u32 s19, v2  }
0x125: {  	[tilespmem:s19+$0x1880] =	vst.msk vm15, v10;
	v10 =	vxor.u32 $0x80000000, v9  }
0x126: {  	(xrf0) =	vmax.scan.msk.u32 $0xffff, v10;
	_ =	sdelay $0x2  }
0x127: {  	s22 =	simm.s32 $0x810  }
0x128: {  	s21 =	simm.s32 $0x10;
	v9 =	vld [tilespmem:s22+$0x0]  }
0x129: {  	s23 =	simm.s32 $0x20;
	s24 =	simm.s32 $0x10;
	v10 =	vld [tilespmem:s21+$0x0]  }
.LBB2_8:
0x12a: {  	p0 =	sne.s32 s23, $0x7F0;
	s20 =	sadd.s32 $0x10, s20;
	v11, _, _ =	vpop (xrf0)  }
0x12b: {  	v12 =	vld [tilespmem:s20+$0x0];
	(v2sf) =	vpush v11, $0xF;
	_ =	sdelay $0x2  }
0x12c: {  	v9 =	vsub.f32 v9, v7;
	v10 =	vsub.f32 v10, v8;
	_ =	sdelay $0x1  }
0x12d: {  	v9 =	vmul.f32 v9, v9;
	v11 =	vsub.f32 v12, v6;
	v10 =	vmul.f32 v10, v10;
	_ =	sdelay $0x1  }
0x12e: {  	v9 =	vadd.f32 v9, v10;
	v10 =	vmul.f32 v11, v11;
	_ =	sdelay $0x1  }
0x12f: {  	v9 =	vadd.f32 v10, v9;
	_ =	sdelay $0x1  }
0x130: {  	vm0 =	vle.f32 v9, $9.000000350e-02  }
0x131: {  	v9 =	vmpcnt.ones.xlane vm0;
	_ =	sdelay $0x1  }
0x132: {  	v9 =	vxor.u32 $0x80000000, v9  }
0x133: {  	(xrf0) =	vmax.scan.msk.u32 $0xffff, v9;
	s25 =	spop (v2sf)  }
.Ltmp3:
0x134: {  	s19 =	sadd.s32 s25, s19;
	(pc) =	sbr.rel @p0 .LBB2_8-.Ltmp3, $4  }
0x135: {  	v9 =	vor.u32 s21, v2;
	s21 =	smov.u32 s23;
	s19 =	sadd.s32 $0x80000000, s19  }
0x136: {  	s22 =	sadd.s32 $0x10, s22;
	[tilespmem:s19+$0x1880] =	vst.msk vm0, v9  }
0x137: {  	s24 =	sadd.s32 $0x10, s24;
	v9 =	vld [tilespmem:s22+$0x0]  }
0x138: {  	s23 =	sadd.s32 $0x10, s23;
	v10 =	vld [tilespmem:s24+$0x0]  }
0x139: {  	s20 =	sadd.s32 $0x10, s20  }
0x13a: {  	v11 =	vld [tilespmem:s20+$0x0];
	_ =	sdelay $0x2  }
0x13b: {  	v9 =	vsub.f32 v9, v7;
	v10 =	vsub.f32 v10, v8;
	_ =	sdelay $0x1  }
0x13c: {  	v9 =	vmul.f32 v9, v9;
	v11 =	vsub.f32 v11, v6;
	v10 =	vmul.f32 v10, v10;
	_ =	sdelay $0x1  }
0x13d: {  	v9 =	vadd.f32 v9, v10;
	v57 =	vmul.f32 v11, v11;
	_ =	sdelay $0x1  }
0x13e: {  	v9 =	vadd.f32 v57, v9;
	_ =	sdelay $0x1  }
0x13f: {  	vm0 =	vle.f32 v9, $9.000000350e-02  }
0x140: {  	v9 =	vmpcnt.ones.xlane vm0;
	_ =	sdelay $0x1  }
0x141: {  	v9 =	vxor.u32 $0x80000000, v9  }
0x142: {  	(xrf0) =	vmax.scan.msk.u32 $0xffff, v9  }
0x143: {  	v58, _, _ =	vpop (xrf0)  }
0x144: {  	(v2sf) =	vpush v58, $0xF;
	_ =	sdelay $0x3  }
0x145: {  	v59, _, _ =	vpop (xrf0)  }
0x146: {  	(v2sf) =	vpush v59, $0xF;
	_ =	sdelay $0x9  }
0x147: {  	s30 =	spop (v2sf)  }
0x148: {  	s19 =	sadd.s32 s30, s19  }
0x149: {  	v60 =	vor.u32 s21, v2;
	s19 =	sadd.s32 $0x80000000, s19  }
0x14a: {  	[tilespmem:s19+$0x1880] =	vst.msk vm0, v60  }
0x14b: {  	v9 =	vld.msk [tilespmem:s14+$0x0], $0xffff  }
0x14c: {  	v61 =	vld [tilespmem:$0x1880];
	s31 =	spop (v2sf)  }
0x14d: {  	s19 =	sadd.s32 s31, s19  }
0x14e: {  	s19 =	sadd.s32 $0x80000000, s19  }
0x14f: {  	v62 =	vmov s19  }
0x150: {  	vm14 =	vgt.s32 v62, v2  }
0x151: {  	v10 =	vsel vm14, v61, v9  }
0x152: {  	v12 =	vld [tilespmem:$0x1890];
	_ =	sdelay $0x3  }
0x153: {  	vm15 =	vgt.s32 v62, v5;
	v63 =	vld.idx.msk [tilespmem:v10+s2+$0x0], $0xffff  }
0x154: {  	v9 =	vsel vm15, v12, v9;
	_ =	sdelay $0x3  }
0x155: {  	[tilespmem:$0x2100] =	vst v63  }
0x156: {  	v11 =	vld.idx.msk [tilespmem:v9+s2+$0x0], $0xffff;
	_ =	sdelay $0x3  }
0x157: {  	[tilespmem:$0x2120] =	vst v8  }
0x158: {  	[tilespmem:$0x2110] =	vst v11  }
0x159: {  	v8 =	vld.idx.msk [tilespmem:v10+s16+$0x0], $0xffff;
	_ =	sdelay $0x4  }
0x15a: {  	[tilespmem:$0x2130] =	vst v8  }
0x15b: {  	v8 =	vld.idx.msk [tilespmem:v9+s16+$0x0], $0xffff;
	_ =	sdelay $0x3  }
0x15c: {  	[tilespmem:$0x2150] =	vst v7  }
0x15d: {  	[tilespmem:$0x2140] =	vst v8  }
0x15e: {  	v7 =	vld.idx.msk [tilespmem:v10+s17+$0x0], $0xffff;
	_ =	sdelay $0x4  }
0x15f: {  	[tilespmem:$0x2160] =	vst v7  }
0x160: {  	v7 =	vld.idx.msk [tilespmem:v9+s17+$0x0], $0xffff;
	_ =	sdelay $0x2  }
0x161: {  	s18 =	sadd.s32 $0x1, s18  }
0x162: {  	p0 =	sne.s32 s18, s11;
	[tilespmem:$0x2180] =	vst v6  }
.Ltmp4:
0x163: {  	[tilespmem:$0x2170] =	vst v7;
	(pc) =	sbr.rel @p0 .LBB2_1-.Ltmp4, $4  }
0x164: {  	[hbm4b:s10+s2] =	stream.linear.scatter [tilespmem:s15], [sflag:$0x1], $0x90, $0x38;
	[tilespmem:$0x2200] =	vst v63  }
0x165: {  	_ =	swait.ge [sflag:s12], $0x90  }
0x166: {  	[sflag:s12] =	ssyncset.done $0x0  }
0x167: {  	[sflag:s12] =	ssyncadd.s32 $0xFFFFFF70  }
0x168: {  	_ =	sfence.sel $0x180000  }
0x169: {  	[bflag:$0x0] =	sbarrier.arrive $0xFFFF  }
0x16a: {  	p0 =	sne.s32 s1, $0x0;
	_ =	strace $0x90000047  }
0x16b: {  	s0 =	sadd.s32 @!p0 $0x100000, s0;
	[bflag:$0x2] =	sbarrier.arrive $0xFFFF  }
0x16c: {  	[sflag:s0] =	ssyncadd.tile.s32 @!p0 $0x1;
	_ =	shalt  }
.Lfunc_end2:
_tile_overlayer_lowered:
.L_overlay_start_2:
0x16d: {  	(tag) =	ssettag $0x2  }
0x16e: {  	s0 =	rddreg [dreg:$0x0];
	s2 =	stileid.u32  }
0x16f: {  	s1 =	rddreg [dreg:$0x1];
	p0 =	sne.s32 s2, $0x0  }
0x170: {  	s3 =	rddreg [dreg:$0x2];
	[bflag:$0x3] =	sbarrier.arrive $0xFFFF;
	s2 =	simm.s32 @!p0 $0x1C01  }
0x171: {  	[timem:s3], [sflag:s2] =	dma.local @!p0 [hbm:s0], s1  }
0x172: {  	s0 =	simm.s32 @!p0 $0x1  }
0x173: {  	_ =	swait.ge @!p0 [sflag:s0], s1  }
0x174: {  	s1 =	ssub.s32 @!p0 $0x0, s1;
	[sflag:s0] =	ssyncset.done @!p0 $0x0  }
0x175: {  	[sflag:s0] =	ssyncadd.s32 @!p0 s1  }
0x176: {  	[bflag:$0x3] =	sbarrier.arrive $0xFFFF  }
0x177: {  	_ =	shalt  }

</sc_bundles>
